<compile_context>
chip_gen: v7x
topology: tpu7x:2x2x1
jax: 0.10.2.dev20260603
libtpu: 0.0.44.dev20260713+nightly
codegen_flags: <defaults>
</compile_context>

<pallas_src>
import jax
import jax.numpy as jnp
from jax import lax
from jax.experimental import pallas as pl
from jax.experimental.pallas import tpu as pltpu
from jax.experimental.pallas import tpu_sc as plsc

N = 10000
D = 128
HD = D // 2
E = 320000

NPAD = 10240
NC, NS = 2, 16
NW = NC * NS
CK = 128
EPAD = NW * CK * ((E + NW * CK - 1) // (NW * CK))
CH = EPAD // (NW * CK)
RPS = NPAD // NS

_mesh = plsc.VectorSubcoreMesh(core_axis_name="c", subcore_axis_name="s",
                               num_cores=NC, num_subcores=NS)


def _deg_body(dst_hbm, zeros_hbm, ones_hbm, out_hbm, dst_v, ones_b, fbuf,
              rbuf, deg_sh):
    cid = lax.axis_index("c")
    sid = lax.axis_index("s")
    wid = cid * NS + sid
    pltpu.sync_copy(zeros_hbm.at[pl.ds(sid * RPS, RPS)],
                    deg_sh.at[pl.ds(sid * RPS, RPS)])
    pltpu.sync_copy(ones_hbm, ones_b)
    pltpu.sync_copy(dst_hbm.at[wid], dst_v)
    plsc.subcore_barrier()

    @pl.loop(0, CH)
    def _(j):
        pltpu.sync_copy(ones_b, deg_sh.at[dst_v.at[j]], add=True)

    plsc.subcore_barrier()

    @pl.loop(0, RPS // CK)
    def _(c):
        base = sid * RPS + c * CK
        pltpu.sync_copy(deg_sh.at[pl.ds(base, CK)], rbuf)

        @pl.loop(0, CK)
        def _(rw):
            for gidx in range(HD // 16):
                v = rbuf[rw, pl.ds(gidx * 32, 32)]
                fbuf[rw, pl.ds(gidx * 16, 16)] = plsc.bitcast(v, jnp.float32)

        pltpu.sync_copy(fbuf, out_hbm.at[cid, pl.ds(base, CK)])


_sc_deg = pl.kernel(
    _deg_body,
    out_type=jax.ShapeDtypeStruct((NC, NPAD, HD), jnp.float32),
    mesh=_mesh,
    scratch_types=[
        pltpu.VMEM((CH, CK), jnp.int32),
        pltpu.VMEM((CK, D), jnp.bfloat16),
        pltpu.VMEM((CK, HD), jnp.float32),
        pltpu.VMEM((CK, D), jnp.bfloat16),
        pltpu.VMEM_SHARED((NPAD, D), jnp.bfloat16),
    ],
    compiler_params=pltpu.CompilerParams(use_tc_tiling_on_sc=False,
                                         needs_layout_passes=False),
)


def _retype_f32_to_bf16(fbuf, bbuf):
    @pl.loop(0, CK)
    def _(rw):
        for gidx in range(HD // 16):
            v = fbuf[rw, pl.ds(gidx * 16, 16)]
            bbuf[rw, pl.ds(gidx * 32, 32)] = plsc.bitcast(v, jnp.bfloat16)


def _agg_body(g_hbm, src_hbm, dst_hbm, zeros_hbm, out_hbm,
              src_v, dst_v, f0, bbuf, rbuf, s_sh):
    cid = lax.axis_index("c")
    sid = lax.axis_index("s")
    wid = cid * NS + sid
    pltpu.sync_copy(src_hbm.at[wid], src_v)
    pltpu.sync_copy(dst_hbm.at[wid], dst_v)
    pltpu.sync_copy(zeros_hbm.at[pl.ds(sid * RPS, RPS)],
                    s_sh.at[pl.ds(sid * RPS, RPS)])
    plsc.subcore_barrier()

    @pl.loop(0, CH)
    def _(j):
        pltpu.sync_copy(g_hbm.at[src_v.at[j]], f0)
        _retype_f32_to_bf16(f0, bbuf)
        pltpu.sync_copy(bbuf, s_sh.at[dst_v.at[j]], add=True)

    plsc.subcore_barrier()

    @pl.loop(0, RPS // CK)
    def _(c):
        base = sid * RPS + c * CK
        pltpu.sync_copy(s_sh.at[pl.ds(base, CK)], rbuf)

        @pl.loop(0, CK)
        def _(rw):
            for gidx in range(HD // 16):
                v = rbuf[rw, pl.ds(gidx * 32, 32)]
                f0[rw, pl.ds(gidx * 16, 16)] = plsc.bitcast(v, jnp.float32)

        pltpu.sync_copy(f0, out_hbm.at[cid, pl.ds(base, CK)])


_sc_agg = pl.kernel(
    _agg_body,
    out_type=jax.ShapeDtypeStruct((NC, NPAD, HD), jnp.float32),
    mesh=_mesh,
    scratch_types=[
        pltpu.VMEM((CH, CK), jnp.int32),
        pltpu.VMEM((CH, CK), jnp.int32),
        pltpu.VMEM((CK, HD), jnp.float32),
        pltpu.VMEM((CK, D), jnp.bfloat16),
        pltpu.VMEM((CK, D), jnp.bfloat16),
        pltpu.VMEM_SHARED((NPAD, D), jnp.bfloat16),
    ],
    compiler_params=pltpu.CompilerParams(use_tc_tiling_on_sc=False,
                                         needs_layout_passes=False),
)


def _h_body(x_ref, w_ref, h_ref):
    h_ref[...] = jnp.dot(x_ref[...], w_ref[...],
                         preferred_element_type=jnp.float32,
                         precision=lax.Precision.HIGHEST)


_BLK1 = 1024


def _tc_h(x_pad, W):
    return pl.pallas_call(
        _h_body,
        grid=(NPAD // _BLK1,),
        in_specs=[
            pl.BlockSpec((_BLK1, D), lambda i: (i, 0)),
            pl.BlockSpec((D, D), lambda i: (0, 0)),
        ],
        out_specs=pl.BlockSpec((_BLK1, D), lambda i: (i, 0)),
        out_shape=jax.ShapeDtypeStruct((NPAD, D), jnp.float32),
    )(x_pad, W)


def _g_body(h_ref, d0_ref, d1_ref, g_ref):
    deg = (d0_ref[:, 0:1].astype(jnp.float32)
           + d1_ref[:, 0:1].astype(jnp.float32) + 1.0)
    g_ref[...] = (h_ref[...] * lax.rsqrt(deg)).astype(jnp.bfloat16)


def _tc_g(h, d0, d1):
    return pl.pallas_call(
        _g_body,
        grid=(NPAD // _BLK1,),
        in_specs=[
            pl.BlockSpec((_BLK1, D), lambda i: (i, 0)),
            pl.BlockSpec((_BLK1, D), lambda i: (i, 0)),
            pl.BlockSpec((_BLK1, D), lambda i: (i, 0)),
        ],
        out_specs=pl.BlockSpec((_BLK1, D), lambda i: (i, 0)),
        out_shape=jax.ShapeDtypeStruct((NPAD, D), jnp.bfloat16),
    )(h, d0, d1)


def _out_body(s0_ref, s1_ref, g_ref, d0_ref, d1_ref, b_ref, o_ref):
    deg = (d0_ref[:, 0:1].astype(jnp.float32)
           + d1_ref[:, 0:1].astype(jnp.float32) + 1.0)
    r = lax.rsqrt(deg)
    s = (s0_ref[...].astype(jnp.float32) + s1_ref[...].astype(jnp.float32)
         + g_ref[...].astype(jnp.float32))
    o_ref[...] = jnp.tanh(s * r + b_ref[...])


_BLK2 = 2000


def _tc_out(s0, s1, g, d0, d1, b2):
    return pl.pallas_call(
        _out_body,
        grid=(N // _BLK2,),
        in_specs=[
            pl.BlockSpec((_BLK2, D), lambda i: (i, 0)),
            pl.BlockSpec((_BLK2, D), lambda i: (i, 0)),
            pl.BlockSpec((_BLK2, D), lambda i: (i, 0)),
            pl.BlockSpec((_BLK2, D), lambda i: (i, 0)),
            pl.BlockSpec((_BLK2, D), lambda i: (i, 0)),
            pl.BlockSpec((1, D), lambda i: (0, 0)),
        ],
        out_specs=pl.BlockSpec((_BLK2, D), lambda i: (i, 0)),
        out_shape=jax.ShapeDtypeStruct((N, D), jnp.float32),
    )(s0, s1, g, d0, d1, b2)


def kernel(x, edge_index, W, b):
    src = edge_index[0].astype(jnp.int32)
    dst = edge_index[1].astype(jnp.int32)
    pad = jnp.full((EPAD - E,), N, dtype=jnp.int32)
    src3 = jnp.concatenate([src, pad]).reshape(NW, CH, CK)
    dst3 = jnp.concatenate([dst, pad]).reshape(NW, CH, CK)
    x_pad = jnp.pad(x, ((0, NPAD - N), (0, 0)))

    zerosS = jnp.zeros((NPAD, D), jnp.bfloat16)
    onesD = jnp.ones((CK, D), jnp.bfloat16)

    degpk = _sc_deg(dst3, zerosS, onesD)
    degb = lax.bitcast_convert_type(degpk, jnp.bfloat16).reshape(NC, NPAD, D)
    h = _tc_h(x_pad, W)
    g = _tc_g(h, degb[0], degb[1])
    gpk = lax.bitcast_convert_type(g.reshape(NPAD, HD, 2), jnp.float32)
    Spk = _sc_agg(gpk, src3, dst3, zerosS)
    Sb = lax.bitcast_convert_type(Spk, jnp.bfloat16).reshape(NC, NPAD, D)
    return _tc_out(Sb[0], Sb[1], g, degb[0], degb[1],
                   b.reshape(1, D).astype(jnp.float32))

# --- scband reference (transcript-rebuilt; emitter-appended) ---
"""Pipeline reference for scband-gnnlayer-16492674417056 (READ-ONLY COPY).

The authoritative reference and input builder live on the scoring server;
editing this copy changes nothing except your own understanding.
"""

import jax, jax.numpy as jnp
import numpy as np

N_NODES = 10000
IN_DIM = 128
OUT_DIM = 128
N_EDGES = 320000

def setup_inputs(seed: int = 0) -> dict:
    key = jax.random.key(seed)
    k1, k2, k3, k4 = jax.random.split(key, 4)
    x = jax.random.normal(k1, (N_NODES, IN_DIM), dtype=jnp.float32)
    edge_index = jax.random.randint(k2, (2, N_EDGES), 0, N_NODES, dtype=jnp.int64)
    W = jax.random.normal(k3, (IN_DIM, OUT_DIM), dtype=jnp.float32) * (1.0 / np.sqrt(IN_DIM))
    b = jnp.zeros((OUT_DIM,), dtype=jnp.float32)
    return {"x": x, "edge_index": edge_index, "W": W, "b": b}

def reference(x, edge_index, W, b):
    # GCNConv with added self-loops and symmetric normalization, then Tanh.
    # Dropout is identity in eval mode.
    N = x.shape[0]
    src = edge_index[0]
    dst = edge_index[1]
    loop = jnp.arange(N, dtype=edge_index.dtype)
    src = jnp.concatenate([src, loop])
    dst = jnp.concatenate([dst, loop])
    # linear transform first
    h = x @ W
    # degree computed on destination nodes (in-degree incl. self-loop)
    deg = jnp.zeros((N,), dtype=h.dtype).at[dst].add(1.0)
    deg_inv_sqrt = jnp.where(deg > 0, 1.0 / jnp.sqrt(deg), 0.0)
    norm = deg_inv_sqrt[src] * deg_inv_sqrt[dst]
    msg = h[src] * norm[:, None]
    agg = jnp.zeros((N, h.shape[1]), dtype=h.dtype).at[dst].add(msg)
    out = jnp.tanh(agg + b)
    return out

if __name__ == "__main__":
    import jax
    _d = setup_inputs()
    print(jax.jit(kernel)(*tuple(_d.values())))

</pallas_src>

<mosaic_0001>
#map = affine_map<(d0, d1) -> (0, 0, 0)>
#map1 = affine_map<(d0, d1) -> (0, 0)>
module attributes {stable_mosaic.version = 14 : i64} {
  func.func @_deg_body(%arg0: i32, %arg1: i32, %arg2: memref<32x79x128xi32, #tpu.memory_space<hbm>>, %arg3: memref<10240x128xbf16, #tpu.memory_space<hbm>>, %arg4: memref<128x128xbf16, #tpu.memory_space<hbm>>, %arg5: memref<2x10240x64xf32, #tpu.memory_space<hbm>>, %arg6: memref<79x128xi32, #tpu.memory_space<vmem>>, %arg7: memref<128x128xbf16, #tpu.memory_space<vmem>>, %arg8: memref<128x64xf32, #tpu.memory_space<vmem>>, %arg9: memref<128x128xbf16, #tpu.memory_space<vmem>>, %arg10: memref<10240x128xbf16, #tpu.memory_space<vmem_shared>>) attributes {dimension_semantics = [#tpu.dimension_semantics<core_parallel>, #tpu.dimension_semantics<subcore_parallel>], iteration_bounds = array<i64: 2, 16>, scalar_prefetch = 0 : i64, scratch_operands = 5 : i64, tpu.core_type = #tpu.core_type<sc_vector_subcore>, window_params = [{transform_indices = #map}, {transform_indices = #map1}, {transform_indices = #map1}, {transform_indices = #map}]} {
    %mul3A = arith.constant 16 : i32
    %mul3A_0 = arith.muli %arg0, %mul3A : i32
    %add3A = arith.addi %mul3A_0, %arg1 : i32
    %mul3A_1 = arith.constant 640 : i32
    %mul3A_2 = arith.muli %arg1, %mul3A_1 : i32
    %mul3A_3 = arith.constant 640 : i32
    %mul3A_4 = arith.muli %arg1, %mul3A_3 : i32
    "tpu.region"() ({
      %run_scoped3A = tpu.sem_alloc : memref<!tpu.dma_semaphore, #tpu.memory_space<semaphore_mem>>
      %dma_start3A = arith.constant 0 : i32
      %dma_start3A_15 = tpu.memref_slice %arg10[%mul3A_4, %dma_start3A] : memref<10240x128xbf16, #tpu.memory_space<vmem_shared>> -> memref<640x128xbf16, #tpu.memory_space<vmem_shared>>
      %dma_start3A_16 = arith.constant 0 : i32
      %dma_start3A_17 = tpu.memref_slice %arg3[%mul3A_2, %dma_start3A_16] : memref<10240x128xbf16, #tpu.memory_space<hbm>> -> memref<640x128xbf16, #tpu.memory_space<hbm>>
      tpu.enqueue_dma source(%dma_start3A_17 : memref<640x128xbf16, #tpu.memory_space<hbm>>) target(%dma_start3A_15 : memref<640x128xbf16, #tpu.memory_space<vmem_shared>>) target_semaphore(%run_scoped3A : memref<!tpu.dma_semaphore, #tpu.memory_space<semaphore_mem>>)
      %dma_wait3A = arith.constant 0 : i32
      %dma_wait3A_18 = tpu.memref_slice %arg10[%mul3A_4, %dma_wait3A] : memref<10240x128xbf16, #tpu.memory_space<vmem_shared>> -> memref<640x128xbf16, #tpu.memory_space<vmem_shared>>
      %dma_wait3A_19 = arith.constant 0 : i32
      %dma_wait3A_20 = tpu.memref_slice %arg3[%mul3A_2, %dma_wait3A_19] : memref<10240x128xbf16, #tpu.memory_space<hbm>> -> memref<640x128xbf16, #tpu.memory_space<hbm>>
      tpu.wait_dma2 semaphore(%run_scoped3A : memref<!tpu.dma_semaphore, #tpu.memory_space<semaphore_mem>>) src(%dma_wait3A_20 : memref<640x128xbf16, #tpu.memory_space<hbm>>) dst(%dma_wait3A_18 : memref<640x128xbf16, #tpu.memory_space<vmem_shared>>)
      tpu.yield
    }) : () -> ()
    "tpu.region"() ({
      %run_scoped3A = tpu.sem_alloc : memref<!tpu.dma_semaphore, #tpu.memory_space<semaphore_mem>>
      tpu.enqueue_dma source(%arg4 : memref<128x128xbf16, #tpu.memory_space<hbm>>) target(%arg7 : memref<128x128xbf16, #tpu.memory_space<vmem>>) target_semaphore(%run_scoped3A : memref<!tpu.dma_semaphore, #tpu.memory_space<semaphore_mem>>)
      tpu.wait_dma2 semaphore(%run_scoped3A : memref<!tpu.dma_semaphore, #tpu.memory_space<semaphore_mem>>) src(%arg4 : memref<128x128xbf16, #tpu.memory_space<hbm>>) dst(%arg7 : memref<128x128xbf16, #tpu.memory_space<vmem>>)
      tpu.yield
    }) : () -> ()
    "tpu.region"() ({
      %run_scoped3A = tpu.sem_alloc : memref<!tpu.dma_semaphore, #tpu.memory_space<semaphore_mem>>
      %dma_start3A = arith.constant 0 : i32
      %dma_start3A_15 = arith.constant 0 : i32
      %dma_start3A_16 = tpu.memref_slice %arg2[%add3A, %dma_start3A, %dma_start3A_15] : memref<32x79x128xi32, #tpu.memory_space<hbm>> -> memref<1x79x128xi32, #tpu.memory_space<hbm>>
      %dma_start3A_17 = tpu.memref_squeeze %dma_start3A_16 : memref<1x79x128xi32, #tpu.memory_space<hbm>> -> memref<79x128xi32, #tpu.memory_space<hbm>>
      %dma_start3A_18 = arith.constant 0 : i32
      %dma_start3A_19 = arith.constant 0 : i32
      %dma_start3A_20 = tpu.memref_slice %arg2[%add3A, %dma_start3A_18, %dma_start3A_19] : memref<32x79x128xi32, #tpu.memory_space<hbm>> -> memref<1x79x128xi32, #tpu.memory_space<hbm>>
      %dma_start3A_21 = tpu.memref_squeeze %dma_start3A_20 : memref<1x79x128xi32, #tpu.memory_space<hbm>> -> memref<79x128xi32, #tpu.memory_space<hbm>>
      tpu.enqueue_dma source(%dma_start3A_21 : memref<79x128xi32, #tpu.memory_space<hbm>>) target(%arg6 : memref<79x128xi32, #tpu.memory_space<vmem>>) target_semaphore(%run_scoped3A : memref<!tpu.dma_semaphore, #tpu.memory_space<semaphore_mem>>)
      %dma_wait3A = arith.constant 0 : i32
      %dma_wait3A_22 = arith.constant 0 : i32
      %dma_wait3A_23 = tpu.memref_slice %arg2[%add3A, %dma_wait3A, %dma_wait3A_22] : memref<32x79x128xi32, #tpu.memory_space<hbm>> -> memref<1x79x128xi32, #tpu.memory_space<hbm>>
      %dma_wait3A_24 = tpu.memref_squeeze %dma_wait3A_23 : memref<1x79x128xi32, #tpu.memory_space<hbm>> -> memref<79x128xi32, #tpu.memory_space<hbm>>
      %dma_wait3A_25 = arith.constant 0 : i32
      %dma_wait3A_26 = arith.constant 0 : i32
      %dma_wait3A_27 = tpu.memref_slice %arg2[%add3A, %dma_wait3A_25, %dma_wait3A_26] : memref<32x79x128xi32, #tpu.memory_space<hbm>> -> memref<1x79x128xi32, #tpu.memory_space<hbm>>
      %dma_wait3A_28 = tpu.memref_squeeze %dma_wait3A_27 : memref<1x79x128xi32, #tpu.memory_space<hbm>> -> memref<79x128xi32, #tpu.memory_space<hbm>>
      tpu.wait_dma2 semaphore(%run_scoped3A : memref<!tpu.dma_semaphore, #tpu.memory_space<semaphore_mem>>) src(%dma_wait3A_28 : memref<79x128xi32, #tpu.memory_space<hbm>>) dst(%arg6 : memref<79x128xi32, #tpu.memory_space<vmem>>)
      tpu.yield
    }) : () -> ()
    %barrier3A = arith.constant 0 : index
    tpu.barrier barrier_id(%barrier3A)
    %scan3A = arith.constant 0 : i32
    %scan3A_5 = arith.constant 79 : i32
    %scan3A_6 = arith.addi %scan3A, %scan3A_5 : i32
    %scan3A_7 = arith.constant 1 : i32
    scf.for %scan3A_15 = %scan3A to %scan3A_6 step %scan3A_7  : i32 {
      %mul3A_16 = arith.constant 1 : i32
      %mul3A_17 = arith.muli %scan3A_15, %mul3A_16 : i32
      %add3A_18 = arith.constant 0 : i32
      %add3A_19 = arith.addi %add3A_18, %mul3A_17 : i32
      "tpu.region"() ({
        %run_scoped3A = tpu.sem_alloc : memref<!tpu.dma_semaphore, #tpu.memory_space<semaphore_mem>>
        %dma_start3A = arith.constant 0 : i32
        %dma_start3A_20 = tpu.memref_slice %arg6[%add3A_19, %dma_start3A] : memref<79x128xi32, #tpu.memory_space<vmem>> -> memref<1x128xi32, #tpu.memory_space<vmem>>
        %dma_start3A_21 = tpu.memref_squeeze %dma_start3A_20 : memref<1x128xi32, #tpu.memory_space<vmem>> -> memref<128xi32, #tpu.memory_space<vmem>>
        %dma_start3A_22 = arith.constant 0 : i32
        %dma_start3A_23 = arith.constant 0 : i32
        %dma_start3A_24 = tpu.memref_slice %arg10[%dma_start3A_22, %dma_start3A_23] : memref<10240x128xbf16, #tpu.memory_space<vmem_shared>> -> memref<10240x128xbf16, #tpu.memory_space<vmem_shared>>
        tpu.enqueue_indirect_dma source(%arg7 : memref<128x128xbf16, #tpu.memory_space<vmem>>) target(%dma_start3A_24 : memref<10240x128xbf16, #tpu.memory_space<vmem_shared>>) offsets(%dma_start3A_21 : memref<128xi32, #tpu.memory_space<vmem>>) semaphore(%run_scoped3A : memref<!tpu.dma_semaphore, #tpu.memory_space<semaphore_mem>>) {add = true}
        %dma_wait3A = arith.constant 0 : i32
        %dma_wait3A_25 = tpu.memref_slice %arg6[%add3A_19, %dma_wait3A] : memref<79x128xi32, #tpu.memory_space<vmem>> -> memref<1x128xi32, #tpu.memory_space<vmem>>
        %dma_wait3A_26 = tpu.memref_squeeze %dma_wait3A_25 : memref<1x128xi32, #tpu.memory_space<vmem>> -> memref<128xi32, #tpu.memory_space<vmem>>
        %dma_wait3A_27 = arith.constant 0 : i32
        %dma_wait3A_28 = arith.constant 0 : i32
        %dma_wait3A_29 = tpu.memref_slice %arg10[%dma_wait3A_27, %dma_wait3A_28] : memref<10240x128xbf16, #tpu.memory_space<vmem_shared>> -> memref<10240x128xbf16, #tpu.memory_space<vmem_shared>>
        tpu.wait_indirect_dma semaphore(%run_scoped3A : memref<!tpu.dma_semaphore, #tpu.memory_space<semaphore_mem>>) src(%arg7 : memref<128x128xbf16, #tpu.memory_space<vmem>>) dst(%dma_wait3A_29 : memref<10240x128xbf16, #tpu.memory_space<vmem_shared>>)
        tpu.yield
      }) : () -> ()
    }
    %scan3A_8 = arith.constant 79 : i32
    %barrier3A_9 = arith.constant 0 : index
    tpu.barrier barrier_id(%barrier3A_9)
    %scan3A_10 = arith.constant 0 : i32
    %scan3A_11 = arith.constant 5 : i32
    %scan3A_12 = arith.addi %scan3A_10, %scan3A_11 : i32
    %scan3A_13 = arith.constant 1 : i32
    scf.for %scan3A_15 = %scan3A_10 to %scan3A_12 step %scan3A_13  : i32 {
      %mul3A_16 = arith.constant 1 : i32
      %mul3A_17 = arith.muli %scan3A_15, %mul3A_16 : i32
      %add3A_18 = arith.constant 0 : i32
      %add3A_19 = arith.addi %add3A_18, %mul3A_17 : i32
      %mul3A_20 = arith.constant 640 : i32
      %mul3A_21 = arith.muli %arg1, %mul3A_20 : i32
      %mul3A_22 = arith.constant 128 : i32
      %mul3A_23 = arith.muli %add3A_19, %mul3A_22 : i32
      %add3A_24 = arith.addi %mul3A_21, %mul3A_23 : i32
      "tpu.region"() ({
        %run_scoped3A = tpu.sem_alloc : memref<!tpu.dma_semaphore, #tpu.memory_space<semaphore_mem>>
        %dma_start3A = arith.constant 0 : i32
        %dma_start3A_30 = tpu.memref_slice %arg10[%add3A_24, %dma_start3A] : memref<10240x128xbf16, #tpu.memory_space<vmem_shared>> -> memref<128x128xbf16, #tpu.memory_space<vmem_shared>>
        %dma_start3A_31 = arith.constant 0 : i32
        %dma_start3A_32 = tpu.memref_slice %arg10[%add3A_24, %dma_start3A_31] : memref<10240x128xbf16, #tpu.memory_space<vmem_shared>> -> memref<128x128xbf16, #tpu.memory_space<vmem_shared>>
        tpu.enqueue_dma source(%dma_start3A_32 : memref<128x128xbf16, #tpu.memory_space<vmem_shared>>) target(%arg9 : memref<128x128xbf16, #tpu.memory_space<vmem>>) target_semaphore(%run_scoped3A : memref<!tpu.dma_semaphore, #tpu.memory_space<semaphore_mem>>)
        %dma_wait3A = arith.constant 0 : i32
        %dma_wait3A_33 = tpu.memref_slice %arg10[%add3A_24, %dma_wait3A] : memref<10240x128xbf16, #tpu.memory_space<vmem_shared>> -> memref<128x128xbf16, #tpu.memory_space<vmem_shared>>
        %dma_wait3A_34 = arith.constant 0 : i32
        %dma_wait3A_35 = tpu.memref_slice %arg10[%add3A_24, %dma_wait3A_34] : memref<10240x128xbf16, #tpu.memory_space<vmem_shared>> -> memref<128x128xbf16, #tpu.memory_space<vmem_shared>>
        tpu.wait_dma2 semaphore(%run_scoped3A : memref<!tpu.dma_semaphore, #tpu.memory_space<semaphore_mem>>) src(%dma_wait3A_35 : memref<128x128xbf16, #tpu.memory_space<vmem_shared>>) dst(%arg9 : memref<128x128xbf16, #tpu.memory_space<vmem>>)
        tpu.yield
      }) : () -> ()
      %scan3A_25 = arith.constant 0 : i32
      %scan3A_26 = arith.constant 128 : i32
      %scan3A_27 = arith.addi %scan3A_25, %scan3A_26 : i32
      %scan3A_28 = arith.constant 1 : i32
      scf.for %scan3A_30 = %scan3A_25 to %scan3A_27 step %scan3A_28  : i32 {
        %mul3A_31 = arith.constant 1 : i32
        %mul3A_32 = arith.muli %scan3A_30, %mul3A_31 : i32
        %add3A_33 = arith.constant 0 : i32
        %add3A_34 = arith.addi %add3A_33, %mul3A_32 : i32
        %get3A = arith.index_cast %add3A_34 : i32 to index
        %get3A_35 = arith.constant 0 : index
        %get3A_36 = tpu.vector_load %arg9[%get3A, %get3A_35] {strides = array<i32>} : memref<128x128xbf16, #tpu.memory_space<vmem>>, vector<32xbf16>,
        %bitcast3A = vector.bitcast %get3A_36 : vector<32xbf16> to vector<16xf32>
        %swap3A = arith.index_cast %add3A_34 : i32 to index
        %swap3A_37 = arith.constant 0 : index
        %swap3A_38 = tpu.vector_load %arg8[%swap3A, %swap3A_37] {strides = array<i32>} : memref<128x64xf32, #tpu.memory_space<vmem>>, vector<16xf32>,
        tpu.vector_store %arg8[%swap3A, %swap3A_37], %bitcast3A {strides = array<i32>} : memref<128x64xf32, #tpu.memory_space<vmem>>, vector<16xf32>,
        %get3A_39 = arith.index_cast %add3A_34 : i32 to index
        %get3A_40 = arith.constant 32 : index
        %get3A_41 = tpu.vector_load %arg9[%get3A_39, %get3A_40] {strides = array<i32>} : memref<128x128xbf16, #tpu.memory_space<vmem>>, vector<32xbf16>,
        %bitcast3A_42 = vector.bitcast %get3A_41 : vector<32xbf16> to vector<16xf32>
        %swap3A_43 = arith.index_cast %add3A_34 : i32 to index
        %swap3A_44 = arith.constant 16 : index
        %swap3A_45 = tpu.vector_load %arg8[%swap3A_43, %swap3A_44] {strides = array<i32>} : memref<128x64xf32, #tpu.memory_space<vmem>>, vector<16xf32>,
        tpu.vector_store %arg8[%swap3A_43, %swap3A_44], %bitcast3A_42 {strides = array<i32>} : memref<128x64xf32, #tpu.memory_space<vmem>>, vector<16xf32>,
        %get3A_46 = arith.index_cast %add3A_34 : i32 to index
        %get3A_47 = arith.constant 64 : index
        %get3A_48 = tpu.vector_load %arg9[%get3A_46, %get3A_47] {strides = array<i32>} : memref<128x128xbf16, #tpu.memory_space<vmem>>, vector<32xbf16>,
        %bitcast3A_49 = vector.bitcast %get3A_48 : vector<32xbf16> to vector<16xf32>
        %swap3A_50 = arith.index_cast %add3A_34 : i32 to index
        %swap3A_51 = arith.constant 32 : index
        %swap3A_52 = tpu.vector_load %arg8[%swap3A_50, %swap3A_51] {strides = array<i32>} : memref<128x64xf32, #tpu.memory_space<vmem>>, vector<16xf32>,
        tpu.vector_store %arg8[%swap3A_50, %swap3A_51], %bitcast3A_49 {strides = array<i32>} : memref<128x64xf32, #tpu.memory_space<vmem>>, vector<16xf32>,
        %get3A_53 = arith.index_cast %add3A_34 : i32 to index
        %get3A_54 = arith.constant 96 : index
        %get3A_55 = tpu.vector_load %arg9[%get3A_53, %get3A_54] {strides = array<i32>} : memref<128x128xbf16, #tpu.memory_space<vmem>>, vector<32xbf16>,
        %bitcast3A_56 = vector.bitcast %get3A_55 : vector<32xbf16> to vector<16xf32>
        %swap3A_57 = arith.index_cast %add3A_34 : i32 to index
        %swap3A_58 = arith.constant 48 : index
        %swap3A_59 = tpu.vector_load %arg8[%swap3A_57, %swap3A_58] {strides = array<i32>} : memref<128x64xf32, #tpu.memory_space<vmem>>, vector<16xf32>,
        tpu.vector_store %arg8[%swap3A_57, %swap3A_58], %bitcast3A_56 {strides = array<i32>} : memref<128x64xf32, #tpu.memory_space<vmem>>, vector<16xf32>,
      }
      %scan3A_29 = arith.constant 128 : i32
      "tpu.region"() ({
        %run_scoped3A = tpu.sem_alloc : memref<!tpu.dma_semaphore, #tpu.memory_space<semaphore_mem>>
        %dma_start3A = arith.constant 0 : i32
        %dma_start3A_30 = tpu.memref_slice %arg5[%arg0, %add3A_24, %dma_start3A] : memref<2x10240x64xf32, #tpu.memory_space<hbm>> -> memref<1x128x64xf32, #tpu.memory_space<hbm>>
        %dma_start3A_31 = tpu.memref_squeeze %dma_start3A_30 : memref<1x128x64xf32, #tpu.memory_space<hbm>> -> memref<128x64xf32, #tpu.memory_space<hbm>>
        %dma_start3A_32 = arith.constant 0 : i32
        %dma_start3A_33 = tpu.memref_slice %arg5[%arg0, %add3A_24, %dma_start3A_32] : memref<2x10240x64xf32, #tpu.memory_space<hbm>> -> memref<1x128x64xf32, #tpu.memory_space<hbm>>
        %dma_start3A_34 = tpu.memref_squeeze %dma_start3A_33 : memref<1x128x64xf32, #tpu.memory_space<hbm>> -> memref<128x64xf32, #tpu.memory_space<hbm>>
        tpu.enqueue_dma source(%arg8 : memref<128x64xf32, #tpu.memory_space<vmem>>) target(%dma_start3A_34 : memref<128x64xf32, #tpu.memory_space<hbm>>) target_semaphore(%run_scoped3A : memref<!tpu.dma_semaphore, #tpu.memory_space<semaphore_mem>>)
        %dma_wait3A = arith.constant 0 : i32
        %dma_wait3A_35 = tpu.memref_slice %arg5[%arg0, %add3A_24, %dma_wait3A] : memref<2x10240x64xf32, #tpu.memory_space<hbm>> -> memref<1x128x64xf32, #tpu.memory_space<hbm>>
        %dma_wait3A_36 = tpu.memref_squeeze %dma_wait3A_35 : memref<1x128x64xf32, #tpu.memory_space<hbm>> -> memref<128x64xf32, #tpu.memory_space<hbm>>
        %dma_wait3A_37 = arith.constant 0 : i32
        %dma_wait3A_38 = tpu.memref_slice %arg5[%arg0, %add3A_24, %dma_wait3A_37] : memref<2x10240x64xf32, #tpu.memory_space<hbm>> -> memref<1x128x64xf32, #tpu.memory_space<hbm>>
        %dma_wait3A_39 = tpu.memref_squeeze %dma_wait3A_38 : memref<1x128x64xf32, #tpu.memory_space<hbm>> -> memref<128x64xf32, #tpu.memory_space<hbm>>
        tpu.wait_dma2 semaphore(%run_scoped3A : memref<!tpu.dma_semaphore, #tpu.memory_space<semaphore_mem>>) src(%arg8 : memref<128x64xf32, #tpu.memory_space<vmem>>) dst(%dma_wait3A_39 : memref<128x64xf32, #tpu.memory_space<hbm>>)
        tpu.yield
      }) : () -> ()
    }
    %scan3A_14 = arith.constant 5 : i32
    return
  }
}

#map = affine_map<(d0, d1) -> (0, 0)>
#map1 = affine_map<(d0, d1) -> (0, 0, 0)>
module attributes {stable_mosaic.version = 14 : i64} {
  func.func @_agg_body(%arg0: i32, %arg1: i32, %arg2: memref<10240x64xf32, #tpu.memory_space<hbm>>, %arg3: memref<32x79x128xi32, #tpu.memory_space<hbm>>, %arg4: memref<32x79x128xi32, #tpu.memory_space<hbm>>, %arg5: memref<10240x128xbf16, #tpu.memory_space<hbm>>, %arg6: memref<2x10240x64xf32, #tpu.memory_space<hbm>>, %arg7: memref<79x128xi32, #tpu.memory_space<vmem>>, %arg8: memref<79x128xi32, #tpu.memory_space<vmem>>, %arg9: memref<128x64xf32, #tpu.memory_space<vmem>>, %arg10: memref<128x128xbf16, #tpu.memory_space<vmem>>, %arg11: memref<128x128xbf16, #tpu.memory_space<vmem>>, %arg12: memref<10240x128xbf16, #tpu.memory_space<vmem_shared>>) attributes {dimension_semantics = [#tpu.dimension_semantics<core_parallel>, #tpu.dimension_semantics<subcore_parallel>], iteration_bounds = array<i64: 2, 16>, scalar_prefetch = 0 : i64, scratch_operands = 6 : i64, tpu.core_type = #tpu.core_type<sc_vector_subcore>, window_params = [{transform_indices = #map}, {transform_indices = #map1}, {transform_indices = #map1}, {transform_indices = #map}, {transform_indices = #map1}]} {
    %mul3A = arith.constant 16 : i32
    %mul3A_0 = arith.muli %arg0, %mul3A : i32
    %add3A = arith.addi %mul3A_0, %arg1 : i32
    "tpu.region"() ({
      %run_scoped3A = tpu.sem_alloc : memref<!tpu.dma_semaphore, #tpu.memory_space<semaphore_mem>>
      %dma_start3A = arith.constant 0 : i32
      %dma_start3A_15 = arith.constant 0 : i32
      %dma_start3A_16 = tpu.memref_slice %arg3[%add3A, %dma_start3A, %dma_start3A_15] : memref<32x79x128xi32, #tpu.memory_space<hbm>> -> memref<1x79x128xi32, #tpu.memory_space<hbm>>
      %dma_start3A_17 = tpu.memref_squeeze %dma_start3A_16 : memref<1x79x128xi32, #tpu.memory_space<hbm>> -> memref<79x128xi32, #tpu.memory_space<hbm>>
      %dma_start3A_18 = arith.constant 0 : i32
      %dma_start3A_19 = arith.constant 0 : i32
      %dma_start3A_20 = tpu.memref_slice %arg3[%add3A, %dma_start3A_18, %dma_start3A_19] : memref<32x79x128xi32, #tpu.memory_space<hbm>> -> memref<1x79x128xi32, #tpu.memory_space<hbm>>
      %dma_start3A_21 = tpu.memref_squeeze %dma_start3A_20 : memref<1x79x128xi32, #tpu.memory_space<hbm>> -> memref<79x128xi32, #tpu.memory_space<hbm>>
      tpu.enqueue_dma source(%dma_start3A_21 : memref<79x128xi32, #tpu.memory_space<hbm>>) target(%arg7 : memref<79x128xi32, #tpu.memory_space<vmem>>) target_semaphore(%run_scoped3A : memref<!tpu.dma_semaphore, #tpu.memory_space<semaphore_mem>>)
      %dma_wait3A = arith.constant 0 : i32
      %dma_wait3A_22 = arith.constant 0 : i32
      %dma_wait3A_23 = tpu.memref_slice %arg3[%add3A, %dma_wait3A, %dma_wait3A_22] : memref<32x79x128xi32, #tpu.memory_space<hbm>> -> memref<1x79x128xi32, #tpu.memory_space<hbm>>
      %dma_wait3A_24 = tpu.memref_squeeze %dma_wait3A_23 : memref<1x79x128xi32, #tpu.memory_space<hbm>> -> memref<79x128xi32, #tpu.memory_space<hbm>>
      %dma_wait3A_25 = arith.constant 0 : i32
      %dma_wait3A_26 = arith.constant 0 : i32
      %dma_wait3A_27 = tpu.memref_slice %arg3[%add3A, %dma_wait3A_25, %dma_wait3A_26] : memref<32x79x128xi32, #tpu.memory_space<hbm>> -> memref<1x79x128xi32, #tpu.memory_space<hbm>>
      %dma_wait3A_28 = tpu.memref_squeeze %dma_wait3A_27 : memref<1x79x128xi32, #tpu.memory_space<hbm>> -> memref<79x128xi32, #tpu.memory_space<hbm>>
      tpu.wait_dma2 semaphore(%run_scoped3A : memref<!tpu.dma_semaphore, #tpu.memory_space<semaphore_mem>>) src(%dma_wait3A_28 : memref<79x128xi32, #tpu.memory_space<hbm>>) dst(%arg7 : memref<79x128xi32, #tpu.memory_space<vmem>>)
      tpu.yield
    }) : () -> ()
    "tpu.region"() ({
      %run_scoped3A = tpu.sem_alloc : memref<!tpu.dma_semaphore, #tpu.memory_space<semaphore_mem>>
      %dma_start3A = arith.constant 0 : i32
      %dma_start3A_15 = arith.constant 0 : i32
      %dma_start3A_16 = tpu.memref_slice %arg4[%add3A, %dma_start3A, %dma_start3A_15] : memref<32x79x128xi32, #tpu.memory_space<hbm>> -> memref<1x79x128xi32, #tpu.memory_space<hbm>>
      %dma_start3A_17 = tpu.memref_squeeze %dma_start3A_16 : memref<1x79x128xi32, #tpu.memory_space<hbm>> -> memref<79x128xi32, #tpu.memory_space<hbm>>
      %dma_start3A_18 = arith.constant 0 : i32
      %dma_start3A_19 = arith.constant 0 : i32
      %dma_start3A_20 = tpu.memref_slice %arg4[%add3A, %dma_start3A_18, %dma_start3A_19] : memref<32x79x128xi32, #tpu.memory_space<hbm>> -> memref<1x79x128xi32, #tpu.memory_space<hbm>>
      %dma_start3A_21 = tpu.memref_squeeze %dma_start3A_20 : memref<1x79x128xi32, #tpu.memory_space<hbm>> -> memref<79x128xi32, #tpu.memory_space<hbm>>
      tpu.enqueue_dma source(%dma_start3A_21 : memref<79x128xi32, #tpu.memory_space<hbm>>) target(%arg8 : memref<79x128xi32, #tpu.memory_space<vmem>>) target_semaphore(%run_scoped3A : memref<!tpu.dma_semaphore, #tpu.memory_space<semaphore_mem>>)
      %dma_wait3A = arith.constant 0 : i32
      %dma_wait3A_22 = arith.constant 0 : i32
      %dma_wait3A_23 = tpu.memref_slice %arg4[%add3A, %dma_wait3A, %dma_wait3A_22] : memref<32x79x128xi32, #tpu.memory_space<hbm>> -> memref<1x79x128xi32, #tpu.memory_space<hbm>>
      %dma_wait3A_24 = tpu.memref_squeeze %dma_wait3A_23 : memref<1x79x128xi32, #tpu.memory_space<hbm>> -> memref<79x128xi32, #tpu.memory_space<hbm>>
      %dma_wait3A_25 = arith.constant 0 : i32
      %dma_wait3A_26 = arith.constant 0 : i32
      %dma_wait3A_27 = tpu.memref_slice %arg4[%add3A, %dma_wait3A_25, %dma_wait3A_26] : memref<32x79x128xi32, #tpu.memory_space<hbm>> -> memref<1x79x128xi32, #tpu.memory_space<hbm>>
      %dma_wait3A_28 = tpu.memref_squeeze %dma_wait3A_27 : memref<1x79x128xi32, #tpu.memory_space<hbm>> -> memref<79x128xi32, #tpu.memory_space<hbm>>
      tpu.wait_dma2 semaphore(%run_scoped3A : memref<!tpu.dma_semaphore, #tpu.memory_space<semaphore_mem>>) src(%dma_wait3A_28 : memref<79x128xi32, #tpu.memory_space<hbm>>) dst(%arg8 : memref<79x128xi32, #tpu.memory_space<vmem>>)
      tpu.yield
    }) : () -> ()
    %mul3A_1 = arith.constant 640 : i32
    %mul3A_2 = arith.muli %arg1, %mul3A_1 : i32
    %mul3A_3 = arith.constant 640 : i32
    %mul3A_4 = arith.muli %arg1, %mul3A_3 : i32
    "tpu.region"() ({
      %run_scoped3A = tpu.sem_alloc : memref<!tpu.dma_semaphore, #tpu.memory_space<semaphore_mem>>
      %dma_start3A = arith.constant 0 : i32
      %dma_start3A_15 = tpu.memref_slice %arg12[%mul3A_4, %dma_start3A] : memref<10240x128xbf16, #tpu.memory_space<vmem_shared>> -> memref<640x128xbf16, #tpu.memory_space<vmem_shared>>
      %dma_start3A_16 = arith.constant 0 : i32
      %dma_start3A_17 = tpu.memref_slice %arg5[%mul3A_2, %dma_start3A_16] : memref<10240x128xbf16, #tpu.memory_space<hbm>> -> memref<640x128xbf16, #tpu.memory_space<hbm>>
      tpu.enqueue_dma source(%dma_start3A_17 : memref<640x128xbf16, #tpu.memory_space<hbm>>) target(%dma_start3A_15 : memref<640x128xbf16, #tpu.memory_space<vmem_shared>>) target_semaphore(%run_scoped3A : memref<!tpu.dma_semaphore, #tpu.memory_space<semaphore_mem>>)
      %dma_wait3A = arith.constant 0 : i32
      %dma_wait3A_18 = tpu.memref_slice %arg12[%mul3A_4, %dma_wait3A] : memref<10240x128xbf16, #tpu.memory_space<vmem_shared>> -> memref<640x128xbf16, #tpu.memory_space<vmem_shared>>
      %dma_wait3A_19 = arith.constant 0 : i32
      %dma_wait3A_20 = tpu.memref_slice %arg5[%mul3A_2, %dma_wait3A_19] : memref<10240x128xbf16, #tpu.memory_space<hbm>> -> memref<640x128xbf16, #tpu.memory_space<hbm>>
      tpu.wait_dma2 semaphore(%run_scoped3A : memref<!tpu.dma_semaphore, #tpu.memory_space<semaphore_mem>>) src(%dma_wait3A_20 : memref<640x128xbf16, #tpu.memory_space<hbm>>) dst(%dma_wait3A_18 : memref<640x128xbf16, #tpu.memory_space<vmem_shared>>)
      tpu.yield
    }) : () -> ()
    %barrier3A = arith.constant 0 : index
    tpu.barrier barrier_id(%barrier3A)
    %scan3A = arith.constant 0 : i32
    %scan3A_5 = arith.constant 79 : i32
    %scan3A_6 = arith.addi %scan3A, %scan3A_5 : i32
    %scan3A_7 = arith.constant 1 : i32
    scf.for %scan3A_15 = %scan3A to %scan3A_6 step %scan3A_7  : i32 {
      %mul3A_16 = arith.constant 1 : i32
      %mul3A_17 = arith.muli %scan3A_15, %mul3A_16 : i32
      %add3A_18 = arith.constant 0 : i32
      %add3A_19 = arith.addi %add3A_18, %mul3A_17 : i32
      "tpu.region"() ({
        %run_scoped3A = tpu.sem_alloc : memref<!tpu.dma_semaphore, #tpu.memory_space<semaphore_mem>>
        %dma_start3A = arith.constant 0 : i32
        %dma_start3A_25 = tpu.memref_slice %arg7[%add3A_19, %dma_start3A] : memref<79x128xi32, #tpu.memory_space<vmem>> -> memref<1x128xi32, #tpu.memory_space<vmem>>
        %dma_start3A_26 = tpu.memref_squeeze %dma_start3A_25 : memref<1x128xi32, #tpu.memory_space<vmem>> -> memref<128xi32, #tpu.memory_space<vmem>>
        %dma_start3A_27 = arith.constant 0 : i32
        %dma_start3A_28 = arith.constant 0 : i32
        %dma_start3A_29 = tpu.memref_slice %arg2[%dma_start3A_27, %dma_start3A_28] : memref<10240x64xf32, #tpu.memory_space<hbm>> -> memref<10240x64xf32, #tpu.memory_space<hbm>>
        tpu.enqueue_indirect_dma source(%dma_start3A_29 : memref<10240x64xf32, #tpu.memory_space<hbm>>) target(%arg9 : memref<128x64xf32, #tpu.memory_space<vmem>>) offsets(%dma_start3A_26 : memref<128xi32, #tpu.memory_space<vmem>>) semaphore(%run_scoped3A : memref<!tpu.dma_semaphore, #tpu.memory_space<semaphore_mem>>)
        %dma_wait3A = arith.constant 0 : i32
        %dma_wait3A_30 = tpu.memref_slice %arg7[%add3A_19, %dma_wait3A] : memref<79x128xi32, #tpu.memory_space<vmem>> -> memref<1x128xi32, #tpu.memory_space<vmem>>
        %dma_wait3A_31 = tpu.memref_squeeze %dma_wait3A_30 : memref<1x128xi32, #tpu.memory_space<vmem>> -> memref<128xi32, #tpu.memory_space<vmem>>
        %dma_wait3A_32 = arith.constant 0 : i32
        %dma_wait3A_33 = arith.constant 0 : i32
        %dma_wait3A_34 = tpu.memref_slice %arg2[%dma_wait3A_32, %dma_wait3A_33] : memref<10240x64xf32, #tpu.memory_space<hbm>> -> memref<10240x64xf32, #tpu.memory_space<hbm>>
        tpu.wait_indirect_dma semaphore(%run_scoped3A : memref<!tpu.dma_semaphore, #tpu.memory_space<semaphore_mem>>) src(%dma_wait3A_34 : memref<10240x64xf32, #tpu.memory_space<hbm>>) dst(%arg9 : memref<128x64xf32, #tpu.memory_space<vmem>>)
        tpu.yield
      }) : () -> ()
      %scan3A_20 = arith.constant 0 : i32
      %scan3A_21 = arith.constant 128 : i32
      %scan3A_22 = arith.addi %scan3A_20, %scan3A_21 : i32
      %scan3A_23 = arith.constant 1 : i32
      scf.for %scan3A_25 = %scan3A_20 to %scan3A_22 step %scan3A_23  : i32 {
        %mul3A_26 = arith.constant 1 : i32
        %mul3A_27 = arith.muli %scan3A_25, %mul3A_26 : i32
        %add3A_28 = arith.constant 0 : i32
        %add3A_29 = arith.addi %add3A_28, %mul3A_27 : i32
        %get3A = arith.index_cast %add3A_29 : i32 to index
        %get3A_30 = arith.constant 0 : index
        %get3A_31 = tpu.vector_load %arg9[%get3A, %get3A_30] {strides = array<i32>} : memref<128x64xf32, #tpu.memory_space<vmem>>, vector<16xf32>,
        %bitcast3A = vector.bitcast %get3A_31 : vector<16xf32> to vector<32xbf16>
        %swap3A = arith.index_cast %add3A_29 : i32 to index
        %swap3A_32 = arith.constant 0 : index
        %swap3A_33 = tpu.vector_load %arg10[%swap3A, %swap3A_32] {strides = array<i32>} : memref<128x128xbf16, #tpu.memory_space<vmem>>, vector<32xbf16>,
        tpu.vector_store %arg10[%swap3A, %swap3A_32], %bitcast3A {strides = array<i32>} : memref<128x128xbf16, #tpu.memory_space<vmem>>, vector<32xbf16>,
        %get3A_34 = arith.index_cast %add3A_29 : i32 to index
        %get3A_35 = arith.constant 16 : index
        %get3A_36 = tpu.vector_load %arg9[%get3A_34, %get3A_35] {strides = array<i32>} : memref<128x64xf32, #tpu.memory_space<vmem>>, vector<16xf32>,
        %bitcast3A_37 = vector.bitcast %get3A_36 : vector<16xf32> to vector<32xbf16>
        %swap3A_38 = arith.index_cast %add3A_29 : i32 to index
        %swap3A_39 = arith.constant 32 : index
        %swap3A_40 = tpu.vector_load %arg10[%swap3A_38, %swap3A_39] {strides = array<i32>} : memref<128x128xbf16, #tpu.memory_space<vmem>>, vector<32xbf16>,
        tpu.vector_store %arg10[%swap3A_38, %swap3A_39], %bitcast3A_37 {strides = array<i32>} : memref<128x128xbf16, #tpu.memory_space<vmem>>, vector<32xbf16>,
        %get3A_41 = arith.index_cast %add3A_29 : i32 to index
        %get3A_42 = arith.constant 32 : index
        %get3A_43 = tpu.vector_load %arg9[%get3A_41, %get3A_42] {strides = array<i32>} : memref<128x64xf32, #tpu.memory_space<vmem>>, vector<16xf32>,
        %bitcast3A_44 = vector.bitcast %get3A_43 : vector<16xf32> to vector<32xbf16>
        %swap3A_45 = arith.index_cast %add3A_29 : i32 to index
        %swap3A_46 = arith.constant 64 : index
        %swap3A_47 = tpu.vector_load %arg10[%swap3A_45, %swap3A_46] {strides = array<i32>} : memref<128x128xbf16, #tpu.memory_space<vmem>>, vector<32xbf16>,
        tpu.vector_store %arg10[%swap3A_45, %swap3A_46], %bitcast3A_44 {strides = array<i32>} : memref<128x128xbf16, #tpu.memory_space<vmem>>, vector<32xbf16>,
        %get3A_48 = arith.index_cast %add3A_29 : i32 to index
        %get3A_49 = arith.constant 48 : index
        %get3A_50 = tpu.vector_load %arg9[%get3A_48, %get3A_49] {strides = array<i32>} : memref<128x64xf32, #tpu.memory_space<vmem>>, vector<16xf32>,
        %bitcast3A_51 = vector.bitcast %get3A_50 : vector<16xf32> to vector<32xbf16>
        %swap3A_52 = arith.index_cast %add3A_29 : i32 to index
        %swap3A_53 = arith.constant 96 : index
        %swap3A_54 = tpu.vector_load %arg10[%swap3A_52, %swap3A_53] {strides = array<i32>} : memref<128x128xbf16, #tpu.memory_space<vmem>>, vector<32xbf16>,
        tpu.vector_store %arg10[%swap3A_52, %swap3A_53], %bitcast3A_51 {strides = array<i32>} : memref<128x128xbf16, #tpu.memory_space<vmem>>, vector<32xbf16>,
      }
      %scan3A_24 = arith.constant 128 : i32
      "tpu.region"() ({
        %run_scoped3A = tpu.sem_alloc : memref<!tpu.dma_semaphore, #tpu.memory_space<semaphore_mem>>
        %dma_start3A = arith.constant 0 : i32
        %dma_start3A_25 = tpu.memref_slice %arg8[%add3A_19, %dma_start3A] : memref<79x128xi32, #tpu.memory_space<vmem>> -> memref<1x128xi32, #tpu.memory_space<vmem>>
        %dma_start3A_26 = tpu.memref_squeeze %dma_start3A_25 : memref<1x128xi32, #tpu.memory_space<vmem>> -> memref<128xi32, #tpu.memory_space<vmem>>
        %dma_start3A_27 = arith.constant 0 : i32
        %dma_start3A_28 = arith.constant 0 : i32
        %dma_start3A_29 = tpu.memref_slice %arg12[%dma_start3A_27, %dma_start3A_28] : memref<10240x128xbf16, #tpu.memory_space<vmem_shared>> -> memref<10240x128xbf16, #tpu.memory_space<vmem_shared>>
        tpu.enqueue_indirect_dma source(%arg10 : memref<128x128xbf16, #tpu.memory_space<vmem>>) target(%dma_start3A_29 : memref<10240x128xbf16, #tpu.memory_space<vmem_shared>>) offsets(%dma_start3A_26 : memref<128xi32, #tpu.memory_space<vmem>>) semaphore(%run_scoped3A : memref<!tpu.dma_semaphore, #tpu.memory_space<semaphore_mem>>) {add = true}
        %dma_wait3A = arith.constant 0 : i32
        %dma_wait3A_30 = tpu.memref_slice %arg8[%add3A_19, %dma_wait3A] : memref<79x128xi32, #tpu.memory_space<vmem>> -> memref<1x128xi32, #tpu.memory_space<vmem>>
        %dma_wait3A_31 = tpu.memref_squeeze %dma_wait3A_30 : memref<1x128xi32, #tpu.memory_space<vmem>> -> memref<128xi32, #tpu.memory_space<vmem>>
        %dma_wait3A_32 = arith.constant 0 : i32
        %dma_wait3A_33 = arith.constant 0 : i32
        %dma_wait3A_34 = tpu.memref_slice %arg12[%dma_wait3A_32, %dma_wait3A_33] : memref<10240x128xbf16, #tpu.memory_space<vmem_shared>> -> memref<10240x128xbf16, #tpu.memory_space<vmem_shared>>
        tpu.wait_indirect_dma semaphore(%run_scoped3A : memref<!tpu.dma_semaphore, #tpu.memory_space<semaphore_mem>>) src(%arg10 : memref<128x128xbf16, #tpu.memory_space<vmem>>) dst(%dma_wait3A_34 : memref<10240x128xbf16, #tpu.memory_space<vmem_shared>>)
        tpu.yield
      }) : () -> ()
    }
    %scan3A_8 = arith.constant 79 : i32
    %barrier3A_9 = arith.constant 0 : index
    tpu.barrier barrier_id(%barrier3A_9)
    %scan3A_10 = arith.constant 0 : i32
    %scan3A_11 = arith.constant 5 : i32
    %scan3A_12 = arith.addi %scan3A_10, %scan3A_11 : i32
    %scan3A_13 = arith.constant 1 : i32
    scf.for %scan3A_15 = %scan3A_10 to %scan3A_12 step %scan3A_13  : i32 {
      %mul3A_16 = arith.constant 1 : i32
      %mul3A_17 = arith.muli %scan3A_15, %mul3A_16 : i32
      %add3A_18 = arith.constant 0 : i32
      %add3A_19 = arith.addi %add3A_18, %mul3A_17 : i32
      %mul3A_20 = arith.constant 640 : i32
      %mul3A_21 = arith.muli %arg1, %mul3A_20 : i32
      %mul3A_22 = arith.constant 128 : i32
      %mul3A_23 = arith.muli %add3A_19, %mul3A_22 : i32
      %add3A_24 = arith.addi %mul3A_21, %mul3A_23 : i32
      "tpu.region"() ({
        %run_scoped3A = tpu.sem_alloc : memref<!tpu.dma_semaphore, #tpu.memory_space<semaphore_mem>>
        %dma_start3A = arith.constant 0 : i32
        %dma_start3A_30 = tpu.memref_slice %arg12[%add3A_24, %dma_start3A] : memref<10240x128xbf16, #tpu.memory_space<vmem_shared>> -> memref<128x128xbf16, #tpu.memory_space<vmem_shared>>
        %dma_start3A_31 = arith.constant 0 : i32
        %dma_start3A_32 = tpu.memref_slice %arg12[%add3A_24, %dma_start3A_31] : memref<10240x128xbf16, #tpu.memory_space<vmem_shared>> -> memref<128x128xbf16, #tpu.memory_space<vmem_shared>>
        tpu.enqueue_dma source(%dma_start3A_32 : memref<128x128xbf16, #tpu.memory_space<vmem_shared>>) target(%arg11 : memref<128x128xbf16, #tpu.memory_space<vmem>>) target_semaphore(%run_scoped3A : memref<!tpu.dma_semaphore, #tpu.memory_space<semaphore_mem>>)
        %dma_wait3A = arith.constant 0 : i32
        %dma_wait3A_33 = tpu.memref_slice %arg12[%add3A_24, %dma_wait3A] : memref<10240x128xbf16, #tpu.memory_space<vmem_shared>> -> memref<128x128xbf16, #tpu.memory_space<vmem_shared>>
        %dma_wait3A_34 = arith.constant 0 : i32
        %dma_wait3A_35 = tpu.memref_slice %arg12[%add3A_24, %dma_wait3A_34] : memref<10240x128xbf16, #tpu.memory_space<vmem_shared>> -> memref<128x128xbf16, #tpu.memory_space<vmem_shared>>
        tpu.wait_dma2 semaphore(%run_scoped3A : memref<!tpu.dma_semaphore, #tpu.memory_space<semaphore_mem>>) src(%dma_wait3A_35 : memref<128x128xbf16, #tpu.memory_space<vmem_shared>>) dst(%arg11 : memref<128x128xbf16, #tpu.memory_space<vmem>>)
        tpu.yield
      }) : () -> ()
      %scan3A_25 = arith.constant 0 : i32
      %scan3A_26 = arith.constant 128 : i32
      %scan3A_27 = arith.addi %scan3A_25, %scan3A_26 : i32
      %scan3A_28 = arith.constant 1 : i32
      scf.for %scan3A_30 = %scan3A_25 to %scan3A_27 step %scan3A_28  : i32 {
        %mul3A_31 = arith.constant 1 : i32
        %mul3A_32 = arith.muli %scan3A_30, %mul3A_31 : i32
        %add3A_33 = arith.constant 0 : i32
        %add3A_34 = arith.addi %add3A_33, %mul3A_32 : i32
        %get3A = arith.index_cast %add3A_34 : i32 to index
        %get3A_35 = arith.constant 0 : index
        %get3A_36 = tpu.vector_load %arg11[%get3A, %get3A_35] {strides = array<i32>} : memref<128x128xbf16, #tpu.memory_space<vmem>>, vector<32xbf16>,
        %bitcast3A = vector.bitcast %get3A_36 : vector<32xbf16> to vector<16xf32>
        %swap3A = arith.index_cast %add3A_34 : i32 to index
        %swap3A_37 = arith.constant 0 : index
        %swap3A_38 = tpu.vector_load %arg9[%swap3A, %swap3A_37] {strides = array<i32>} : memref<128x64xf32, #tpu.memory_space<vmem>>, vector<16xf32>,
        tpu.vector_store %arg9[%swap3A, %swap3A_37], %bitcast3A {strides = array<i32>} : memref<128x64xf32, #tpu.memory_space<vmem>>, vector<16xf32>,
        %get3A_39 = arith.index_cast %add3A_34 : i32 to index
        %get3A_40 = arith.constant 32 : index
        %get3A_41 = tpu.vector_load %arg11[%get3A_39, %get3A_40] {strides = array<i32>} : memref<128x128xbf16, #tpu.memory_space<vmem>>, vector<32xbf16>,
        %bitcast3A_42 = vector.bitcast %get3A_41 : vector<32xbf16> to vector<16xf32>
        %swap3A_43 = arith.index_cast %add3A_34 : i32 to index
        %swap3A_44 = arith.constant 16 : index
        %swap3A_45 = tpu.vector_load %arg9[%swap3A_43, %swap3A_44] {strides = array<i32>} : memref<128x64xf32, #tpu.memory_space<vmem>>, vector<16xf32>,
        tpu.vector_store %arg9[%swap3A_43, %swap3A_44], %bitcast3A_42 {strides = array<i32>} : memref<128x64xf32, #tpu.memory_space<vmem>>, vector<16xf32>,
        %get3A_46 = arith.index_cast %add3A_34 : i32 to index
        %get3A_47 = arith.constant 64 : index
        %get3A_48 = tpu.vector_load %arg11[%get3A_46, %get3A_47] {strides = array<i32>} : memref<128x128xbf16, #tpu.memory_space<vmem>>, vector<32xbf16>,
        %bitcast3A_49 = vector.bitcast %get3A_48 : vector<32xbf16> to vector<16xf32>
        %swap3A_50 = arith.index_cast %add3A_34 : i32 to index
        %swap3A_51 = arith.constant 32 : index
        %swap3A_52 = tpu.vector_load %arg9[%swap3A_50, %swap3A_51] {strides = array<i32>} : memref<128x64xf32, #tpu.memory_space<vmem>>, vector<16xf32>,
        tpu.vector_store %arg9[%swap3A_50, %swap3A_51], %bitcast3A_49 {strides = array<i32>} : memref<128x64xf32, #tpu.memory_space<vmem>>, vector<16xf32>,
        %get3A_53 = arith.index_cast %add3A_34 : i32 to index
        %get3A_54 = arith.constant 96 : index
        %get3A_55 = tpu.vector_load %arg11[%get3A_53, %get3A_54] {strides = array<i32>} : memref<128x128xbf16, #tpu.memory_space<vmem>>, vector<32xbf16>,
        %bitcast3A_56 = vector.bitcast %get3A_55 : vector<32xbf16> to vector<16xf32>
        %swap3A_57 = arith.index_cast %add3A_34 : i32 to index
        %swap3A_58 = arith.constant 48 : index
        %swap3A_59 = tpu.vector_load %arg9[%swap3A_57, %swap3A_58] {strides = array<i32>} : memref<128x64xf32, #tpu.memory_space<vmem>>, vector<16xf32>,
        tpu.vector_store %arg9[%swap3A_57, %swap3A_58], %bitcast3A_56 {strides = array<i32>} : memref<128x64xf32, #tpu.memory_space<vmem>>, vector<16xf32>,
      }
      %scan3A_29 = arith.constant 128 : i32
      "tpu.region"() ({
        %run_scoped3A = tpu.sem_alloc : memref<!tpu.dma_semaphore, #tpu.memory_space<semaphore_mem>>
        %dma_start3A = arith.constant 0 : i32
        %dma_start3A_30 = tpu.memref_slice %arg6[%arg0, %add3A_24, %dma_start3A] : memref<2x10240x64xf32, #tpu.memory_space<hbm>> -> memref<1x128x64xf32, #tpu.memory_space<hbm>>
        %dma_start3A_31 = tpu.memref_squeeze %dma_start3A_30 : memref<1x128x64xf32, #tpu.memory_space<hbm>> -> memref<128x64xf32, #tpu.memory_space<hbm>>
        %dma_start3A_32 = arith.constant 0 : i32
        %dma_start3A_33 = tpu.memref_slice %arg6[%arg0, %add3A_24, %dma_start3A_32] : memref<2x10240x64xf32, #tpu.memory_space<hbm>> -> memref<1x128x64xf32, #tpu.memory_space<hbm>>
        %dma_start3A_34 = tpu.memref_squeeze %dma_start3A_33 : memref<1x128x64xf32, #tpu.memory_space<hbm>> -> memref<128x64xf32, #tpu.memory_space<hbm>>
        tpu.enqueue_dma source(%arg9 : memref<128x64xf32, #tpu.memory_space<vmem>>) target(%dma_start3A_34 : memref<128x64xf32, #tpu.memory_space<hbm>>) target_semaphore(%run_scoped3A : memref<!tpu.dma_semaphore, #tpu.memory_space<semaphore_mem>>)
        %dma_wait3A = arith.constant 0 : i32
        %dma_wait3A_35 = tpu.memref_slice %arg6[%arg0, %add3A_24, %dma_wait3A] : memref<2x10240x64xf32, #tpu.memory_space<hbm>> -> memref<1x128x64xf32, #tpu.memory_space<hbm>>
        %dma_wait3A_36 = tpu.memref_squeeze %dma_wait3A_35 : memref<1x128x64xf32, #tpu.memory_space<hbm>> -> memref<128x64xf32, #tpu.memory_space<hbm>>
        %dma_wait3A_37 = arith.constant 0 : i32
        %dma_wait3A_38 = tpu.memref_slice %arg6[%arg0, %add3A_24, %dma_wait3A_37] : memref<2x10240x64xf32, #tpu.memory_space<hbm>> -> memref<1x128x64xf32, #tpu.memory_space<hbm>>
        %dma_wait3A_39 = tpu.memref_squeeze %dma_wait3A_38 : memref<1x128x64xf32, #tpu.memory_space<hbm>> -> memref<128x64xf32, #tpu.memory_space<hbm>>
        tpu.wait_dma2 semaphore(%run_scoped3A : memref<!tpu.dma_semaphore, #tpu.memory_space<semaphore_mem>>) src(%arg9 : memref<128x64xf32, #tpu.memory_space<vmem>>) dst(%dma_wait3A_39 : memref<128x64xf32, #tpu.memory_space<hbm>>)
        tpu.yield
      }) : () -> ()
    }
    %scan3A_14 = arith.constant 5 : i32
    return
  }
}

module attributes {stable_mosaic.version = 14 : i64} {
  func.func @_h_body(%arg0: i32, %arg1: memref<1024x128xf32, #tpu.memory_space<vmem>>, %arg2: memref<128x128xf32, #tpu.memory_space<vmem>>, %arg3: memref<1024x128xf32, #tpu.memory_space<vmem>>) attributes {dimension_semantics = [#tpu.dimension_semantics<arbitrary>], iteration_bounds = array<i64: 10>, scalar_prefetch = 0 : i64, scratch_operands = 0 : i64, tpu.core_type = #tpu.core_type<tc>, window_params = [{transform_indices = @transform_0, window_bounds = array<i64: 1024, 128>}, {pipeline_mode = #tpu.pipeline_mode<synchronous>, transform_indices = @transform_1, window_bounds = array<i64: 128, 128>}, {transform_indices = @transform_2, window_bounds = array<i64: 1024, 128>}]} {
    %get3A = arith.constant 0 : index
    %get3A_0 = arith.constant 0 : index
    %get3A_1 = vector.load %arg1[%get3A, %get3A_0] : memref<1024x128xf32, #tpu.memory_space<vmem>>, vector<1024x128xf32>
    %get3A_2 = arith.constant 0 : index
    %get3A_3 = arith.constant 0 : index
    %get3A_4 = vector.load %arg2[%get3A_2, %get3A_3] : memref<128x128xf32, #tpu.memory_space<vmem>>, vector<128x128xf32>
    %dot_general3A = arith.constant dense<0.000000e+00> : vector<1024x128xf32>
    %dot_general3A_5 = tpu.matmul %get3A_1, %get3A_4, %dot_general3A {dimension_numbers = #tpu.dot_dimension_numbers<[1], [0], [0], [1], [0, 0, 1, 1], [], []>, precision = #tpu.contract_precision<fp32>, transpose_lhs_hint = false} : vector<1024x128xf32>, vector<128x128xf32>, vector<1024x128xf32> -> vector<1024x128xf32>
    %swap3A = arith.constant 0 : index
    %swap3A_6 = arith.constant 0 : index
    %swap3A_7 = vector.load %arg3[%swap3A, %swap3A_6] : memref<1024x128xf32, #tpu.memory_space<vmem>>, vector<1024x128xf32>
    tpu.vector_store %arg3[%swap3A, %swap3A_6], %dot_general3A_5 {strides = array<i32>} : memref<1024x128xf32, #tpu.memory_space<vmem>>, vector<1024x128xf32>,
    return
  }
  func.func @transform_0(%arg0: i32) -> (i32, i32) {
    %c0_i32 = arith.constant 0 : i32
    %c0_i32_0 = arith.constant 0 : i32
    return %arg0, %c0_i32 : i32, i32
  }
  func.func @transform_1(%arg0: i32) -> (i32, i32) {
    %c0_i32 = arith.constant 0 : i32
    %c0_i32_0 = arith.constant 0 : i32
    %c0_i32_1 = arith.constant 0 : i32
    return %c0_i32, %c0_i32_0 : i32, i32
  }
  func.func @transform_2(%arg0: i32) -> (i32, i32) {
    %c0_i32 = arith.constant 0 : i32
    %c0_i32_0 = arith.constant 0 : i32
    return %arg0, %c0_i32 : i32, i32
  }
}

module attributes {stable_mosaic.version = 14 : i64} {
  func.func @_g_body(%arg0: i32, %arg1: memref<1024x128xf32, #tpu.memory_space<vmem>>, %arg2: memref<1024x128xbf16, #tpu.memory_space<vmem>>, %arg3: memref<1024x128xbf16, #tpu.memory_space<vmem>>, %arg4: memref<1024x128xbf16, #tpu.memory_space<vmem>>) attributes {dimension_semantics = [#tpu.dimension_semantics<arbitrary>], iteration_bounds = array<i64: 10>, scalar_prefetch = 0 : i64, scratch_operands = 0 : i64, tpu.core_type = #tpu.core_type<tc>, window_params = [{transform_indices = @transform_0, window_bounds = array<i64: 1024, 128>}, {transform_indices = @transform_1, window_bounds = array<i64: 1024, 128>}, {transform_indices = @transform_2, window_bounds = array<i64: 1024, 128>}, {transform_indices = @transform_3, window_bounds = array<i64: 1024, 128>}]} {
    %get3A = arith.constant 0 : index
    %get3A_0 = arith.constant 0 : index
    %get3A_1 = vector.load %arg2[%get3A, %get3A_0] : memref<1024x128xbf16, #tpu.memory_space<vmem>>, vector<1024x1xbf16>
    %convert_element_type3A = arith.extf %get3A_1 : vector<1024x1xbf16> to vector<1024x1xf32>
    %get3A_2 = arith.constant 0 : index
    %get3A_3 = arith.constant 0 : index
    %get3A_4 = vector.load %arg3[%get3A_2, %get3A_3] : memref<1024x128xbf16, #tpu.memory_space<vmem>>, vector<1024x1xbf16>
    %convert_element_type3A_5 = arith.extf %get3A_4 : vector<1024x1xbf16> to vector<1024x1xf32>
    %add3A = arith.addf %convert_element_type3A, %convert_element_type3A_5 : vector<1024x1xf32>
    %add3A_6 = arith.constant 1.000000e+00 : f32
    %add3A_7 = vector.broadcast %add3A_6 : f32 to vector<1024x1xf32>
    %add3A_8 = arith.addf %add3A, %add3A_7 : vector<1024x1xf32>
    %get3A_9 = arith.constant 0 : index
    %get3A_10 = arith.constant 0 : index
    %get3A_11 = vector.load %arg1[%get3A_9, %get3A_10] : memref<1024x128xf32, #tpu.memory_space<vmem>>, vector<1024x128xf32>
    %rsqrt3A = math.rsqrt %add3A_8 : vector<1024x1xf32>
    %mul3A = vector.broadcast %rsqrt3A : vector<1024x1xf32> to vector<1024x128xf32>
    %mul3A_12 = arith.mulf %get3A_11, %mul3A : vector<1024x128xf32>
    %convert_element_type3A_13 = arith.truncf %mul3A_12 : vector<1024x128xf32> to vector<1024x128xbf16>
    %swap3A = arith.constant 0 : index
    %swap3A_14 = arith.constant 0 : index
    %swap3A_15 = vector.load %arg4[%swap3A, %swap3A_14] : memref<1024x128xbf16, #tpu.memory_space<vmem>>, vector<1024x128xbf16>
    tpu.vector_store %arg4[%swap3A, %swap3A_14], %convert_element_type3A_13 {strides = array<i32>} : memref<1024x128xbf16, #tpu.memory_space<vmem>>, vector<1024x128xbf16>,
    return
  }
  func.func @transform_0(%arg0: i32) -> (i32, i32) {
    %c0_i32 = arith.constant 0 : i32
    %c0_i32_0 = arith.constant 0 : i32
    return %arg0, %c0_i32 : i32, i32
  }
  func.func @transform_1(%arg0: i32) -> (i32, i32) {
    %c0_i32 = arith.constant 0 : i32
    %c0_i32_0 = arith.constant 0 : i32
    return %arg0, %c0_i32 : i32, i32
  }
  func.func @transform_2(%arg0: i32) -> (i32, i32) {
    %c0_i32 = arith.constant 0 : i32
    %c0_i32_0 = arith.constant 0 : i32
    return %arg0, %c0_i32 : i32, i32
  }
  func.func @transform_3(%arg0: i32) -> (i32, i32) {
    %c0_i32 = arith.constant 0 : i32
    %c0_i32_0 = arith.constant 0 : i32
    return %arg0, %c0_i32 : i32, i32
  }
}

module attributes {stable_mosaic.version = 14 : i64} {
  func.func @_out_body(%arg0: i32, %arg1: memref<2000x128xbf16, #tpu.memory_space<vmem>>, %arg2: memref<2000x128xbf16, #tpu.memory_space<vmem>>, %arg3: memref<2000x128xbf16, #tpu.memory_space<vmem>>, %arg4: memref<2000x128xbf16, #tpu.memory_space<vmem>>, %arg5: memref<2000x128xbf16, #tpu.memory_space<vmem>>, %arg6: memref<1x128xf32, #tpu.memory_space<vmem>>, %arg7: memref<2000x128xf32, #tpu.memory_space<vmem>>) attributes {dimension_semantics = [#tpu.dimension_semantics<arbitrary>], iteration_bounds = array<i64: 5>, scalar_prefetch = 0 : i64, scratch_operands = 0 : i64, tpu.core_type = #tpu.core_type<tc>, window_params = [{transform_indices = @transform_0, window_bounds = array<i64: 2000, 128>}, {transform_indices = @transform_1, window_bounds = array<i64: 2000, 128>}, {transform_indices = @transform_2, window_bounds = array<i64: 2000, 128>}, {transform_indices = @transform_3, window_bounds = array<i64: 2000, 128>}, {transform_indices = @transform_4, window_bounds = array<i64: 2000, 128>}, {pipeline_mode = #tpu.pipeline_mode<synchronous>, transform_indices = @transform_5, window_bounds = array<i64: 1, 128>}, {transform_indices = @transform_6, window_bounds = array<i64: 2000, 128>}]} {
    %get3A = arith.constant 0 : index
    %get3A_0 = arith.constant 0 : index
    %get3A_1 = vector.load %arg4[%get3A, %get3A_0] : memref<2000x128xbf16, #tpu.memory_space<vmem>>, vector<2000x1xbf16>
    %convert_element_type3A = arith.extf %get3A_1 : vector<2000x1xbf16> to vector<2000x1xf32>
    %get3A_2 = arith.constant 0 : index
    %get3A_3 = arith.constant 0 : index
    %get3A_4 = vector.load %arg5[%get3A_2, %get3A_3] : memref<2000x128xbf16, #tpu.memory_space<vmem>>, vector<2000x1xbf16>
    %convert_element_type3A_5 = arith.extf %get3A_4 : vector<2000x1xbf16> to vector<2000x1xf32>
    %add3A = arith.addf %convert_element_type3A, %convert_element_type3A_5 : vector<2000x1xf32>
    %add3A_6 = arith.constant 1.000000e+00 : f32
    %add3A_7 = vector.broadcast %add3A_6 : f32 to vector<2000x1xf32>
    %add3A_8 = arith.addf %add3A, %add3A_7 : vector<2000x1xf32>
    %rsqrt3A = math.rsqrt %add3A_8 : vector<2000x1xf32>
    %get3A_9 = arith.constant 0 : index
    %get3A_10 = arith.constant 0 : index
    %get3A_11 = vector.load %arg1[%get3A_9, %get3A_10] : memref<2000x128xbf16, #tpu.memory_space<vmem>>, vector<2000x128xbf16>
    %convert_element_type3A_12 = arith.extf %get3A_11 : vector<2000x128xbf16> to vector<2000x128xf32>
    %get3A_13 = arith.constant 0 : index
    %get3A_14 = arith.constant 0 : index
    %get3A_15 = vector.load %arg2[%get3A_13, %get3A_14] : memref<2000x128xbf16, #tpu.memory_space<vmem>>, vector<2000x128xbf16>
    %convert_element_type3A_16 = arith.extf %get3A_15 : vector<2000x128xbf16> to vector<2000x128xf32>
    %add3A_17 = arith.addf %convert_element_type3A_12, %convert_element_type3A_16 : vector<2000x128xf32>
    %get3A_18 = arith.constant 0 : index
    %get3A_19 = arith.constant 0 : index
    %get3A_20 = vector.load %arg3[%get3A_18, %get3A_19] : memref<2000x128xbf16, #tpu.memory_space<vmem>>, vector<2000x128xbf16>
    %convert_element_type3A_21 = arith.extf %get3A_20 : vector<2000x128xbf16> to vector<2000x128xf32>
    %add3A_22 = arith.addf %add3A_17, %convert_element_type3A_21 : vector<2000x128xf32>
    %mul3A = vector.broadcast %rsqrt3A : vector<2000x1xf32> to vector<2000x128xf32>
    %mul3A_23 = arith.mulf %add3A_22, %mul3A : vector<2000x128xf32>
    %get3A_24 = arith.constant 0 : index
    %get3A_25 = arith.constant 0 : index
    %get3A_26 = vector.load %arg6[%get3A_24, %get3A_25] : memref<1x128xf32, #tpu.memory_space<vmem>>, vector<1x128xf32>
    %add3A_27 = vector.broadcast %get3A_26 : vector<1x128xf32> to vector<2000x128xf32>
    %add3A_28 = arith.addf %mul3A_23, %add3A_27 : vector<2000x128xf32>
    %tanh3A = math.tanh %add3A_28 : vector<2000x128xf32>
    %swap3A = arith.constant 0 : index
    %swap3A_29 = arith.constant 0 : index
    %swap3A_30 = vector.load %arg7[%swap3A, %swap3A_29] : memref<2000x128xf32, #tpu.memory_space<vmem>>, vector<2000x128xf32>
    tpu.vector_store %arg7[%swap3A, %swap3A_29], %tanh3A {strides = array<i32>} : memref<2000x128xf32, #tpu.memory_space<vmem>>, vector<2000x128xf32>,
    return
  }
  func.func @transform_0(%arg0: i32) -> (i32, i32) {
    %c0_i32 = arith.constant 0 : i32
    %c0_i32_0 = arith.constant 0 : i32
    return %arg0, %c0_i32 : i32, i32
  }
  func.func @transform_1(%arg0: i32) -> (i32, i32) {
    %c0_i32 = arith.constant 0 : i32
    %c0_i32_0 = arith.constant 0 : i32
    return %arg0, %c0_i32 : i32, i32
  }
  func.func @transform_2(%arg0: i32) -> (i32, i32) {
    %c0_i32 = arith.constant 0 : i32
    %c0_i32_0 = arith.constant 0 : i32
    return %arg0, %c0_i32 : i32, i32
  }
  func.func @transform_3(%arg0: i32) -> (i32, i32) {
    %c0_i32 = arith.constant 0 : i32
    %c0_i32_0 = arith.constant 0 : i32
    return %arg0, %c0_i32 : i32, i32
  }
  func.func @transform_4(%arg0: i32) -> (i32, i32) {
    %c0_i32 = arith.constant 0 : i32
    %c0_i32_0 = arith.constant 0 : i32
    return %arg0, %c0_i32 : i32, i32
  }
  func.func @transform_5(%arg0: i32) -> (i32, i32) {
    %c0_i32 = arith.constant 0 : i32
    %c0_i32_0 = arith.constant 0 : i32
    %c0_i32_1 = arith.constant 0 : i32
    return %c0_i32, %c0_i32_0 : i32, i32
  }
  func.func @transform_6(%arg0: i32) -> (i32, i32) {
    %c0_i32 = arith.constant 0 : i32
    %c0_i32_0 = arith.constant 0 : i32
    return %arg0, %c0_i32 : i32, i32
  }
}

</mosaic_0001>

<sc_bundles>
// kernel: kernel.10.cloned.1.call-start
scs
__scs_entry_jumppad:
0x0: {  	(pc) =	sbr.rel $0x88, $3  }
0x1: {  	(tag) =	ssettag $0x0;
	lr =	simm.s32 $0x1  }
0x2: {  	[smem:$0x3F9D] =	sst lr;
	_ =	strace $0xD0000000  }
0x3: {  	_ = 	snop  }
0x4: {  	_ = 	snop  }
0x5: {  	_ = 	snop  }
0x6: {  	_ = 	snop  }
0x7: {  	_ = 	snop  }
__scs_overlays_trampoline_lowered:
0x8: {  	[smem:$0x3FAC] =	sst s0  }
0x9: {  	[smem:$0x3FAD] =	sst s1  }
0xa: {  	[smem:$0x3FAE] =	sst s2  }
0xb: {  	[smem:$0x3FAF] =	sst s3  }
0xc: {  	[smem:$0x3FB0] =	sst s4  }
0xd: {  	[smem:$0x3FB1] =	sst s5  }
0xe: {  	[smem:$0x3FB2] =	sst s6  }
0xf: {  	[smem:$0x3FB3] =	sst s7  }
0x10: {  	[smem:$0x3FB4] =	sst s8  }
0x11: {  	[smem:$0x3FB5] =	sst s9;
	s0 =	simm.s32 @!p0 $0x0  }
0x12: {  	s1 =	sld [smem:$0x3F9B];
	s0 =	simm.s32 @p0 $0x1  }
0x13: {  	[smem:$0x3FB6] =	sst s0;
	s0 =	simm.s32 @!p1 $0x0  }
0x14: {  	s2 =	sld [smem:$0x3F9A];
	s0 =	simm.s32 @p1 $0x1  }
0x15: {  	[smem:$0x3FB7] =	sst s0;
	s0 =	simm.s32 @!p2 $0x0  }
0x16: {  	s3 =	sld [smem:$0x3FDB];
	s0 =	simm.s32 @p2 $0x1  }
0x17: {  	s4 =	simm.s32 $0x1BF5;
	[smem:$0x3FB9] =	sst s0  }
0x18: {  	s0 =	sld [smem:$0x3F9C];
	_ =	swait.ge [sflag:s4], $0x0  }
0x19: {  	s7 =	sld [smem:$0x3F9D]  }
0x1a: {  	s8 =	sadd.s32 $0xFFFFE003, lr  }
0x1b: {  	s9 =	sadd.s32 $0xFFFFFEF7, lr;
	s5 =	simm.s32 $0xFFFFFFFF;
	p2 =	slt.u32 s8, $0xFFFFF086  }
0x1c: {  	p1 =	slt.u32 s9, $0xF7A;
	s5 =	simm.s32 @!p2 $0x0  }
0x1d: {  	s5 =	simm.s32 @p1 $0x1;
	p0 =	seq.s32 s7, s2  }
0x1e: {  	s7 =	smul.u32 @!p0 $0xF7A, s2;
	p2 =	seq.s32 @!p0 s5, $0x0  }
0x1f: {  	s9 =	smul.u32 $0xF7A, s1;
	s8 =	simm.s32 @!p0 $0x1BF5;
	p2 =	por !p2, p0  }
0x20: {  	[sflag:s8] =	ssyncset.s32 @!p0 $0xFFFFF086;
	s6 =	sadd.s32 @!p0 s3, s7;
	s7 =	simm.s32 @!p0 $0x108  }
0x21: {  	s3 =	sadd.s32 s3, s9;
	s6 =	sadd.s32 @!p0 $0x88, s6;
	s7 =	simm.s32 @p2 $0x1082  }
0x22: {  	[simem:s7], [sflag:s8] =	dma.local @!p0 [hbm:s6], $0xF7A  }
0x23: {  	s9 =	sor.u32 $0xD0000000, s2;
	s6 =	simm.s32 $0x108;
	_ =	swait.ge @!p0 [sflag:s8], $0x0  }
0x24: {  	s3 =	sadd.s32 $0x88, s3;
	s6 =	simm.s32 @!p1 $0x1082;
	[sflag:s4] =	ssyncset.s32 $0xFFFFF086  }
0x25: {  	[simem:s6], [sflag:s4] =	dma.local [hbm:s3], $0xF7A  }
0x26: {  	[smem:$0x3F9D] =	sst s1;
	(tag) =	ssettag s2;
	_ =	strace s9  }
0x27: {  	s1 =	sld [smem:$0x3FAD]  }
0x28: {  	s2 =	sld [smem:$0x3FAE]  }
0x29: {  	s4 =	sld [smem:$0x3FB0]  }
0x2a: {  	p0 =	seq.s32 s5, $0x0;
	s5 =	sld [smem:$0x3FB1]  }
0x2b: {  	s6 =	sld [smem:$0x3FB2]  }
0x2c: {  	s7 =	sld [smem:$0x3FB3]  }
0x2d: {  	s3 =	simm.s32 $0x108;
	s8 =	sld [smem:$0x3FB4]  }
0x2e: {  	s3 =	simm.s32 @!p0 $0x1082;
	s9 =	sld [smem:$0x3FB5]  }
0x2f: {  	lr =	sadd.s32 s0, s3;
	s0 =	sld [smem:$0x3FAC]  }
0x30: {  	s3 =	sld [smem:$0x3FAF]  }
0x31: {  	[smem:$0x3FB8] =	sst s10  }
0x32: {  	s10 =	sld [smem:$0x3FB6];
	_ =	sdelay $0x3  }
0x33: {  	p0 =	seq.s32 s10, $0x1;
	s10 =	sld [smem:$0x3FB8];
	_ =	sdelay $0x3  }
0x34: {  	[smem:$0x3FB8] =	sst s10  }
0x35: {  	s10 =	sld [smem:$0x3FB7];
	_ =	sdelay $0x3  }
0x36: {  	p1 =	seq.s32 s10, $0x1;
	s10 =	sld [smem:$0x3FB8];
	_ =	sdelay $0x3  }
0x37: {  	[smem:$0x3FB8] =	sst s10  }
0x38: {  	s10 =	sld [smem:$0x3FB9]  }
0x39: {  	_ = 	snop;
	(pc) =	sbr.ind lr, $3  }
0x3a: {  	_ = 	snop  }
0x3b: {  	_ = 	snop  }
0x3c: {  	p2 =	seq.s32 s10, $0x1;
	s10 =	sld [smem:$0x3FB8]  }
0x3d: {  	_ =	shalt  }
0x3e: {  	_ =	shalt  }
0x3f: {  	_ =	shalt  }
0x40: {  	_ =	shalt  }
0x41: {  	_ =	shalt  }
0x42: {  	_ =	shalt  }
0x43: {  	_ =	shalt  }
0x44: {  	_ =	shalt  }
0x45: {  	_ =	shalt  }
0x46: {  	_ =	shalt  }
0x47: {  	_ =	shalt  }
0x48: {  	_ =	shalt  }
0x49: {  	_ =	shalt  }
0x4a: {  	_ =	shalt  }
0x4b: {  	_ =	shalt  }
0x4c: {  	_ =	shalt  }
0x4d: {  	_ =	shalt  }
0x4e: {  	_ =	shalt  }
0x4f: {  	_ =	shalt  }
0x50: {  	_ =	shalt  }
0x51: {  	_ =	shalt  }
0x52: {  	_ =	shalt  }
0x53: {  	_ =	shalt  }
0x54: {  	_ =	shalt  }
0x55: {  	_ =	shalt  }
0x56: {  	_ =	shalt  }
0x57: {  	_ =	shalt  }
0x58: {  	_ =	shalt  }
0x59: {  	_ =	shalt  }
0x5a: {  	_ =	shalt  }
0x5b: {  	_ =	shalt  }
0x5c: {  	_ =	shalt  }
0x5d: {  	_ =	shalt  }
0x5e: {  	_ =	shalt  }
0x5f: {  	_ =	shalt  }
0x60: {  	_ =	shalt  }
0x61: {  	_ =	shalt  }
0x62: {  	_ =	shalt  }
0x63: {  	_ =	shalt  }
0x64: {  	_ =	shalt  }
0x65: {  	_ =	shalt  }
0x66: {  	_ =	shalt  }
0x67: {  	_ =	shalt  }
0x68: {  	_ =	shalt  }
0x69: {  	_ =	shalt  }
0x6a: {  	_ =	shalt  }
0x6b: {  	_ =	shalt  }
0x6c: {  	_ =	shalt  }
0x6d: {  	_ =	shalt  }
0x6e: {  	_ =	shalt  }
0x6f: {  	_ =	shalt  }
0x70: {  	_ =	shalt  }
0x71: {  	_ =	shalt  }
0x72: {  	_ =	shalt  }
0x73: {  	_ =	shalt  }
0x74: {  	_ =	shalt  }
0x75: {  	_ =	shalt  }
0x76: {  	_ =	shalt  }
0x77: {  	_ =	shalt  }
0x78: {  	_ =	shalt  }
0x79: {  	_ =	shalt  }
0x7a: {  	_ =	shalt  }
0x7b: {  	_ =	shalt  }
0x7c: {  	_ =	shalt  }
0x7d: {  	_ =	shalt  }
0x7e: {  	_ =	shalt  }
0x7f: {  	_ =	shalt  }
0x80: {  	_ =	shalt  }
0x81: {  	_ =	shalt  }
0x82: {  	_ =	shalt  }
0x83: {  	_ =	shalt  }
0x84: {  	_ =	shalt  }
0x85: {  	_ =	shalt  }
0x86: {  	_ =	shalt  }
0x87: {  	_ =	shalt  }
.Lfunc_end0:
.L_simem_size_0:
called_computation.1_lowered:
.L_overlay_start_0:
0x88: {  	s2 =	sld [smem:$0x3FD9]  }
0x89: {  	s3 =	sld [smem:$0x3FFE];
	_ =	sdelay $0x1  }
0x8a: {  	s1 =	srdreg.scid  }
0x8b: {  	s0 =	sand.u32 $0x1, s1  }
0x8c: {  	s17 =	sshll.u32 s0, $0xA;
	s2 =	sadd.s32 s3, s2  }
0x8d: {  	s2 =	sadd.s32 s2, s17  }
0x8e: {  	[smem:$0x3FC4] =	sst s2  }
0x8f: {  	_ = 	snop  }
0x90: {  	s2 =	sld [smem:$0x3FD0];
	(tm) =	ssettm $0x1  }
0x91: {  	s18 =	sld [smem:$0x3FFB];
	_ =	sdelay $0x3  }
0x92: {  	_ =	strace s18  }
0x93: {  	s3 =	sld [smem:$0x3FFC];
	_ =	sdelay $0x3  }
0x94: {  	_ =	strace s3  }
0x95: {  	s3 =	sld [smem:$0x3FFD];
	_ =	sdelay $0x3  }
0x96: {  	_ =	strace s3  }
0x97: {  	_ =	strace $0x8FFFFFFF  }
0x98: {  	s19 =	sld [smem:$0x3FDB];
	_ =	sdelay $0x1  }
0x99: {  	s4 =	simm.s32 $_scs_section_size  }
0x9a: {  	s5 =	simm.s32 $_size__tile_overlayer_lowered;
	s6 =	simm.s32 $_tile_overlayer_lowered  }
0x9b: {  	s22 =	simm.s32 $0x1BFF;
	s21 =	sshll.u32 s6, $0x1;
	s3 =	sadd.s32 s4, s19  }
0x9c: {  	s7 =	simm.s32 $0x0;
	s20 =	sshll.u32 s5, $0x1;
	s5 =	sadd.s32 s21, s3  }
0x9d: {  	[timem:s7], [sflag:s22] =	dma.local [hbm:s5], s20  }
0x9e: {  	_ =	swait.ge [sflag:s22], s20  }
0x9f: {  	s4 =	ssub.s32 $0x0, s20;
	[sflag:s22] =	ssyncset.done $0x0  }
0xa0: {  	[sflag:s22] =	ssyncadd.s32 s4;
	_ =	sdelay $0x1  }
0xa1: {  	s23 =	simm.s32 $0x1B8B  }
0xa2: {  	_ =	swait.ge [sflag:s23], $0x1  }
0xa3: {  	[sflag:s23] =	ssyncset.done $0x0  }
0xa4: {  	s25 =	simm.s32 $0x1B8E;
	s24 =	sld [smem:$0x3FFE];
	[sflag:s23] =	ssyncadd.s32 $0xFFFFFFFF  }
0xa5: {  	s26 =	simm.s32 $execute0_lowered;
	[smem:$0x3FD2] =	sst s25  }
0xa6: {  	s5 =	sshll.u32 s26, $0x1;
	_ =	strace $0x80000049;
	[dreg:$0x1] =	wrdreg $0xFFFFFFFF  }
0xa7: {  	s28 =	simm.s32 $_size_execute0_lowered;
	s3 =	sadd.s32 s3, s5;
	[dreg:$0x0] =	wrdreg $0x0  }
0xa8: {  	s5 =	sshll.u32 s28, $0x1;
	[dreg:$0x2] =	wrdreg s3  }
0xa9: {  	[dreg:$0x3] =	wrdreg s5  }
0xaa: {  	[dreg:$0x4] =	wrdreg $0xC0  }
0xab: {  	_ =	task [dreg:s7], $0x5FFFF  }
0xac: {  	[dreg:$0x1] =	wrdreg $0xFFFFFFFF  }
0xad: {  	[dreg:$0x0] =	wrdreg $0x60  }
0xae: {  	[dreg:$0x2] =	wrdreg s24  }
0xaf: {  	[dreg:$0x3] =	wrdreg s2  }
0xb0: {  	[dreg:$0x4] =	wrdreg $0xAF000  }
0xb1: {  	[dreg:$0x5] =	wrdreg $0x9  }
0xb2: {  	_ =	task.clear_ibuf [dreg:s7], $0x6FFFF;
	_ =	strace $0x90000049  }
0xb3: {  	s29 =	simm.s32 $0x9;
	_ =	strace $0x8000004B  }
0xb4: {  	_ =	swait.ge [sflag:s29], $0x1  }
0xb5: {  	[sflag:s29] =	ssyncadd.s32 $0xFFFFFFFF  }
0xb6: {  	_ =	strace $0x9000004B  }
0xb7: {  	_ =	sfence  }
0xb8: {  	s30 =	sld [smem:$0x0];
	_ =	sdelay $0x2  }
0xb9: {  	s31 =	sshll.u32 s1, $0xD;
	s1 =	sshrl.u32 s1, $0x2  }
0xba: {  	s3 =	sand.u32 $0x4000, s31;
	s1 =	sadd.s32 s1, s30  }
0xbb: {  	s0 =	sor.u32 s3, s0;
	s1 =	sshll.u32 s1, $0x11  }
0xbc: {  	s0 =	sor.u32 s1, s0  }
0xbd: {  	s0 =	sadd.s32 $0x8F2B, s0  }
0xbe: {  	[sflag:s0] =	ssyncadd.remote.s32 $0x1  }
0xbf: {  	_ =	sfence.sel $0xFFFF  }
0xc0: {  	[dreg:$0x0] =	wrdreg $0xFFFFFFFF;
	(pc) =	sbr.abs _section_cstart, $3  }
0xc1: {  	[dreg:$0x1] =	wrdreg $0xFFFFFFFF  }
0xc2: {  	_ =	task.clear_ibuf [dreg:s7], $0x2FFFF;
	_ =	strace $0x9FFFFFFF  }
0xc3: {  	(tm) =	ssettm $0x7FFFFFFF  }
tec
execute0_lowered:
.L_overlay_start_1:
0x0: {  	(tag) =	ssettag $0x1  }
0x1: {  	s5 =	rddreg [dreg:$0x0]  }
0x2: {  	s0 =	srdreg.scid;
	s9 =	rddreg [dreg:$0x1]  }
0x3: {  	s2 =	rddreg [dreg:$0x2];
	s1 =	stileid.u32;
	s3 =	simm.s32 $0x0  }
0x4: {  	s16 =	simm.s32 $0x80;
	s17 =	simm.s32 $0x4F00;
	s18 =	simm.s32 $0x6F00  }
0x5: {  	s19 =	simm.s32 $0x8F00;
	s10 =	sand.u32 $0x1, s0;
	s0 =	rddreg [dreg:$0x3]  }
0x6: {  	s20 =	simm.s32 $0x0;
	[smem:$0x7FF] =	sst s3;
	s11 =	smul.u32 $0x14000, s1  }
0x7: {  	s14 =	sshll.u32 s1, $0x6;
	s4 =	sshll.u32 s10, $0x4;
	_ =	strace $0x8000004A  }
0x8: {  	s7 =	ssub.s32 $0x2, s10;
	s10 =	smul.u32 $0xA0000, s10;
	s14 =	sor.u32 $0x1C01, s14  }
0x9: {  	s4 =	sor.u32 s1, s4;
	s31 =	sshrl.u32 s7, $0x1;
	s13 =	sshrl.u32 s11, $0x1  }
0xa: {  	s11 =	sshrl.u32 s11, $0x4;
	s6 =	smul.u32 $0x4F0, s4;
	s4 =	sadd.s32 $0xB200, s5  }
0xb: {  	s12 =	ssub.s32 s7, s31;
	s15 =	sadd.s32 s13, s2;
	s9 =	sadd.s32 s9, s11  }
0xc: {  	s13 =	simm.s32 $0x2780;
	s11 =	smax.u32 s12, $0x1;
	s12 =	simm.s32 $0x1  }
0xd: {  	s15 =	sshrl.u32 s15, $0x3;
	s8 =	sadd.s32 s6, s5;
	s5 =	sadd.s32 $0x3D000, s5  }
0xe: {  	s6 =	sadd.s32 $0x33200, s8;
	s7 =	sadd.s32 $0x1400, s8;
	s8 =	smul.u32 $0x280, s1  }
.LBB2_1:
0xf: {  	[tilespmem:s3], [sflag:$0x1] =	stream.linear.gather [hbm4b:s6+s3], $0x2780, $0x38;
	[tilespmem:$0x14F00] =	vst v63  }
0x10: {  	_ =	swait.ge [sflag:s12], $0x2780  }
0x11: {  	[sflag:s12] =	ssyncset.done $0x0  }
0x12: {  	[sflag:s12] =	ssyncadd.s32 $0xFFFFD880  }
0x13: {  	[tilespmem:s13], [sflag:$0x1] =	stream.linear.gather [hbm4b:s7+s3], $0x2780, $0x38;
	[tilespmem:$0x14F00] =	vst v63  }
0x14: {  	_ =	swait.ge [sflag:s12], $0x2780  }
0x15: {  	[sflag:s12] =	ssyncset.done $0x0  }
0x16: {  	[sflag:s12] =	ssyncadd.s32 $0xFFFFD880  }
0x17: {  	[spmem:s15], [sflag:s14] =	dma.local [hbm:s9], $0x1400  }
0x18: {  	_ =	swait.ge [sflag:s12], $0x1400  }
0x19: {  	[sflag:s12] =	ssyncset.done $0x0  }
0x1a: {  	[sflag:s12] =	ssyncadd.s32 $0xFFFFEC00  }
0x1b: {  	s21 =	simm.s32 $0x0;
	[bflag:$0x0] =	sbarrier.arrive $0xFFFF  }
.LBB2_2:
0x1c: {  	s22 =	sshll.u32 s21, $0x7  }
0x1d: {  	[tilespmem:s17], [sflag:$0x1] =	stream.indirect.gather [hbm4b:s4+s16], $0x40, s22, s16, $0xb8;
	[tilespmem:$0x14F00] =	vst v63  }
0x1e: {  	_ =	swait.ge [sflag:s12], $0x2000  }
0x1f: {  	[sflag:s12] =	ssyncset.done $0x0  }
0x20: {  	s23 =	simm.s32 $0x0;
	[sflag:s12] =	ssyncadd.s32 $0xFFFFE000  }
0x21: {  	v0 =	vld [tilespmem:s23+$0x4F30]  }
0x22: {  	v1 =	vld [tilespmem:s23+$0x4F00]  }
0x23: {  	v2 =	vld [tilespmem:s23+$0x4F10]  }
0x24: {  	s24 =	simm.s32 $0x100;
	v3 =	vld [tilespmem:s23+$0x4F20]  }
.LBB2_3:
0x25: {  	p0 =	sne.s32 s24, $0x7F00  }
.Ltmp0:
0x26: {  	s25 =	sshra.s32 s24, $0x2;
	s24 =	sadd.s32 $0x100, s24;
	[tilespmem:s23+$0x6F30] =	vst v0;
	(pc) =	sbr.rel @p0 .LBB2_3-.Ltmp0, $4  }
0x27: {  	v0 =	vld [tilespmem:s25+$0x4F30];
	[tilespmem:s23+$0x6F00] =	vst v1  }
0x28: {  	v1 =	vld [tilespmem:s25+$0x4F00];
	[tilespmem:s23+$0x6F10] =	vst v2  }
0x29: {  	v2 =	vld [tilespmem:s25+$0x4F10];
	[tilespmem:s23+$0x6F20] =	vst v3;
	s23 =	smov.u32 s25  }
0x2a: {  	v3 =	vld [tilespmem:s23+$0x4F20]  }
0x2b: {  	_ = 	snop  }
0x2c: {  	[tilespmem:s23+$0x6F30] =	vst v0  }
0x2d: {  	s21 =	sadd.s32 $0x1, s21;
	[tilespmem:s23+$0x6F00] =	vst v1  }
0x2e: {  	p0 =	sne.s32 s21, $0x4F;
	[tilespmem:s23+$0x6F10] =	vst v2  }
.Ltmp1:
0x2f: {  	s22 =	sadd.s32 $0x2780, s22;
	[tilespmem:s23+$0x6F20] =	vst v3;
	(pc) =	sbr.rel @p0 .LBB2_2-.Ltmp1, $4  }
0x30: {  	[spmem:s2] =	stream.indirect.scatter.add.bf16 [tilespmem:s18], [sflag:$0x1], $0x40, s22, s16, $0xb8;
	[tilespmem:$0x14F00] =	vst v63  }
0x31: {  	_ =	swait.ge [sflag:s12], $0x2000  }
0x32: {  	[sflag:s12] =	ssyncset.done $0x0  }
0x33: {  	[sflag:s12] =	ssyncadd.s32 $0xFFFFE000  }
0x34: {  	[bflag:$0x0] =	sbarrier.arrive $0xFFFF;
	s21 =	simm.s32 $0x0  }
.LBB2_6:
0x35: {  	s22 =	sshll.u32 s21, $0x7  }
0x36: {  	s22 =	sadd.s32 s8, s22  }
0x37: {  	s22 =	sshll.u32 s22, $0x6  }
0x38: {  	s23 =	sand.u32 $0x3FFFFFC0, s22  }
0x39: {  	s23 =	sadd.s32 s23, s2  }
0x3a: {  	[tilespmem:s19], [sflag:$0x1] =	stream.linear.gather [spmem:s23], $0x2000, $0x38;
	[tilespmem:$0x14F00] =	vst v63  }
0x3b: {  	_ =	swait.ge [sflag:s12], $0x2000  }
0x3c: {  	[sflag:s12] =	ssyncset.done $0x0  }
0x3d: {  	s23 =	simm.s32 $0x0;
	[sflag:s12] =	ssyncadd.s32 $0xFFFFE000  }
0x3e: {  	v1 =	vld [tilespmem:s23+$0x8F30]  }
0x3f: {  	v2 =	vld [tilespmem:s23+$0x8F00]  }
0x40: {  	v0 =	vld [tilespmem:s23+$0x8F10]  }
0x41: {  	s24 =	simm.s32 $0x100;
	v3 =	vld [tilespmem:s23+$0x8F20]  }
.LBB2_7:
0x42: {  	p0 =	sne.s32 s24, $0x7F00  }
.Ltmp2:
0x43: {  	s25 =	sshra.s32 s24, $0x2;
	s24 =	sadd.s32 $0x100, s24;
	[tilespmem:s23+$0x4F30] =	vst v1;
	(pc) =	sbr.rel @p0 .LBB2_7-.Ltmp2, $4  }
0x44: {  	v1 =	vld [tilespmem:s25+$0x8F30];
	[tilespmem:s23+$0x4F00] =	vst v2  }
0x45: {  	v2 =	vld [tilespmem:s25+$0x8F00];
	[tilespmem:s23+$0x4F10] =	vst v0  }
0x46: {  	v0 =	vld [tilespmem:s25+$0x8F10];
	[tilespmem:s23+$0x4F20] =	vst v3;
	s23 =	smov.u32 s25  }
0x47: {  	v3 =	vld [tilespmem:s23+$0x8F20]  }
0x48: {  	_ = 	snop  }
0x49: {  	[tilespmem:s23+$0x4F30] =	vst v1  }
0x4a: {  	s22 =	sadd.s32 s10, s22;
	s21 =	sadd.s32 $0x1, s21;
	[tilespmem:s23+$0x4F00] =	vst v2  }
0x4b: {  	s22 =	sshrl.u32 s22, $0x3;
	p0 =	sne.s32 s21, $0x5;
	[tilespmem:s23+$0x4F10] =	vst v0  }
.Ltmp3:
0x4c: {  	s22 =	sadd.s32 s5, s22;
	[tilespmem:s23+$0x4F20] =	vst v3;
	(pc) =	sbr.rel @p0 .LBB2_6-.Ltmp3, $4  }
0x4d: {  	[hbm4b:s22+s3] =	stream.linear.scatter [tilespmem:s17], [sflag:$0x1], $0x2000, $0x38;
	[tilespmem:$0x14F00] =	vst v63  }
0x4e: {  	_ =	swait.ge [sflag:s12], $0x2000  }
0x4f: {  	[sflag:s12] =	ssyncset.done $0x0  }
0x50: {  	[sflag:s12] =	ssyncadd.s32 $0xFFFFE000  }
0x51: {  	s20 =	sadd.s32 $0x1, s20  }
0x52: {  	p0 =	sne.s32 s20, s11  }
.Ltmp4:
0x53: {  	_ = 	snop;
	(pc) =	sbr.rel @p0 .LBB2_1-.Ltmp4, $1  }
0x54: {  	_ =	sdelay $0x3  }
0x55: {  	_ =	sfence.sel $0x180000  }
0x56: {  	[bflag:$0x0] =	sbarrier.arrive $0xFFFF  }
0x57: {  	p0 =	sne.s32 s1, $0x0;
	_ =	strace $0x9000004A  }
0x58: {  	s0 =	sadd.s32 @!p0 $0x100000, s0;
	[bflag:$0x2] =	sbarrier.arrive $0xFFFF  }
0x59: {  	[sflag:s0] =	ssyncadd.tile.s32 @!p0 $0x1;
	_ =	shalt  }
.Lfunc_end2:
_tile_overlayer_lowered:
.L_overlay_start_2:
0x5a: {  	(tag) =	ssettag $0x2  }
0x5b: {  	s0 =	rddreg [dreg:$0x0];
	s2 =	stileid.u32  }
0x5c: {  	s1 =	rddreg [dreg:$0x1];
	p0 =	sne.s32 s2, $0x0  }
0x5d: {  	s3 =	rddreg [dreg:$0x2];
	[bflag:$0x3] =	sbarrier.arrive $0xFFFF;
	s2 =	simm.s32 @!p0 $0x1C01  }
0x5e: {  	[timem:s3], [sflag:s2] =	dma.local @!p0 [hbm:s0], s1  }
0x5f: {  	s0 =	simm.s32 @!p0 $0x1  }
0x60: {  	_ =	swait.ge @!p0 [sflag:s0], s1  }
0x61: {  	s1 =	ssub.s32 @!p0 $0x0, s1;
	[sflag:s0] =	ssyncset.done @!p0 $0x0  }
0x62: {  	[sflag:s0] =	ssyncadd.s32 @!p0 s1  }
0x63: {  	[bflag:$0x3] =	sbarrier.arrive $0xFFFF  }
0x64: {  	_ =	shalt  }

// kernel: kernel.7.cloned.1.call-start
scs
__scs_entry_jumppad:
0x0: {  	(pc) =	sbr.rel $0x88, $3  }
0x1: {  	(tag) =	ssettag $0x0;
	lr =	simm.s32 $0x1  }
0x2: {  	[smem:$0x3F9D] =	sst lr;
	_ =	strace $0xD0000000  }
0x3: {  	_ = 	snop  }
0x4: {  	_ = 	snop  }
0x5: {  	_ = 	snop  }
0x6: {  	_ = 	snop  }
0x7: {  	_ = 	snop  }
__scs_overlays_trampoline_lowered:
0x8: {  	[smem:$0x3FAC] =	sst s0  }
0x9: {  	[smem:$0x3FAD] =	sst s1  }
0xa: {  	[smem:$0x3FAE] =	sst s2  }
0xb: {  	[smem:$0x3FAF] =	sst s3  }
0xc: {  	[smem:$0x3FB0] =	sst s4  }
0xd: {  	[smem:$0x3FB1] =	sst s5  }
0xe: {  	[smem:$0x3FB2] =	sst s6  }
0xf: {  	[smem:$0x3FB3] =	sst s7  }
0x10: {  	[smem:$0x3FB4] =	sst s8  }
0x11: {  	[smem:$0x3FB5] =	sst s9;
	s0 =	simm.s32 @!p0 $0x0  }
0x12: {  	s1 =	sld [smem:$0x3F9B];
	s0 =	simm.s32 @p0 $0x1  }
0x13: {  	[smem:$0x3FB6] =	sst s0;
	s0 =	simm.s32 @!p1 $0x0  }
0x14: {  	s2 =	sld [smem:$0x3F9A];
	s0 =	simm.s32 @p1 $0x1  }
0x15: {  	[smem:$0x3FB7] =	sst s0;
	s0 =	simm.s32 @!p2 $0x0  }
0x16: {  	s3 =	sld [smem:$0x3FDB];
	s0 =	simm.s32 @p2 $0x1  }
0x17: {  	s4 =	simm.s32 $0x1BF5;
	[smem:$0x3FB9] =	sst s0  }
0x18: {  	s0 =	sld [smem:$0x3F9C];
	_ =	swait.ge [sflag:s4], $0x0  }
0x19: {  	s7 =	sld [smem:$0x3F9D]  }
0x1a: {  	s8 =	sadd.s32 $0xFFFFE003, lr  }
0x1b: {  	s9 =	sadd.s32 $0xFFFFFEF7, lr;
	s5 =	simm.s32 $0xFFFFFFFF;
	p2 =	slt.u32 s8, $0xFFFFF086  }
0x1c: {  	p1 =	slt.u32 s9, $0xF7A;
	s5 =	simm.s32 @!p2 $0x0  }
0x1d: {  	s5 =	simm.s32 @p1 $0x1;
	p0 =	seq.s32 s7, s2  }
0x1e: {  	s7 =	smul.u32 @!p0 $0xF7A, s2;
	p2 =	seq.s32 @!p0 s5, $0x0  }
0x1f: {  	s9 =	smul.u32 $0xF7A, s1;
	s8 =	simm.s32 @!p0 $0x1BF5;
	p2 =	por !p2, p0  }
0x20: {  	[sflag:s8] =	ssyncset.s32 @!p0 $0xFFFFF086;
	s6 =	sadd.s32 @!p0 s3, s7;
	s7 =	simm.s32 @!p0 $0x108  }
0x21: {  	s3 =	sadd.s32 s3, s9;
	s6 =	sadd.s32 @!p0 $0x88, s6;
	s7 =	simm.s32 @p2 $0x1082  }
0x22: {  	[simem:s7], [sflag:s8] =	dma.local @!p0 [hbm:s6], $0xF7A  }
0x23: {  	s9 =	sor.u32 $0xD0000000, s2;
	s6 =	simm.s32 $0x108;
	_ =	swait.ge @!p0 [sflag:s8], $0x0  }
0x24: {  	s3 =	sadd.s32 $0x88, s3;
	s6 =	simm.s32 @!p1 $0x1082;
	[sflag:s4] =	ssyncset.s32 $0xFFFFF086  }
0x25: {  	[simem:s6], [sflag:s4] =	dma.local [hbm:s3], $0xF7A  }
0x26: {  	[smem:$0x3F9D] =	sst s1;
	(tag) =	ssettag s2;
	_ =	strace s9  }
0x27: {  	s1 =	sld [smem:$0x3FAD]  }
0x28: {  	s2 =	sld [smem:$0x3FAE]  }
0x29: {  	s4 =	sld [smem:$0x3FB0]  }
0x2a: {  	p0 =	seq.s32 s5, $0x0;
	s5 =	sld [smem:$0x3FB1]  }
0x2b: {  	s6 =	sld [smem:$0x3FB2]  }
0x2c: {  	s7 =	sld [smem:$0x3FB3]  }
0x2d: {  	s3 =	simm.s32 $0x108;
	s8 =	sld [smem:$0x3FB4]  }
0x2e: {  	s3 =	simm.s32 @!p0 $0x1082;
	s9 =	sld [smem:$0x3FB5]  }
0x2f: {  	lr =	sadd.s32 s0, s3;
	s0 =	sld [smem:$0x3FAC]  }
0x30: {  	s3 =	sld [smem:$0x3FAF]  }
0x31: {  	[smem:$0x3FB8] =	sst s10  }
0x32: {  	s10 =	sld [smem:$0x3FB6];
	_ =	sdelay $0x3  }
0x33: {  	p0 =	seq.s32 s10, $0x1;
	s10 =	sld [smem:$0x3FB8];
	_ =	sdelay $0x3  }
0x34: {  	[smem:$0x3FB8] =	sst s10  }
0x35: {  	s10 =	sld [smem:$0x3FB7];
	_ =	sdelay $0x3  }
0x36: {  	p1 =	seq.s32 s10, $0x1;
	s10 =	sld [smem:$0x3FB8];
	_ =	sdelay $0x3  }
0x37: {  	[smem:$0x3FB8] =	sst s10  }
0x38: {  	s10 =	sld [smem:$0x3FB9]  }
0x39: {  	_ = 	snop;
	(pc) =	sbr.ind lr, $3  }
0x3a: {  	_ = 	snop  }
0x3b: {  	_ = 	snop  }
0x3c: {  	p2 =	seq.s32 s10, $0x1;
	s10 =	sld [smem:$0x3FB8]  }
0x3d: {  	_ =	shalt  }
0x3e: {  	_ =	shalt  }
0x3f: {  	_ =	shalt  }
0x40: {  	_ =	shalt  }
0x41: {  	_ =	shalt  }
0x42: {  	_ =	shalt  }
0x43: {  	_ =	shalt  }
0x44: {  	_ =	shalt  }
0x45: {  	_ =	shalt  }
0x46: {  	_ =	shalt  }
0x47: {  	_ =	shalt  }
0x48: {  	_ =	shalt  }
0x49: {  	_ =	shalt  }
0x4a: {  	_ =	shalt  }
0x4b: {  	_ =	shalt  }
0x4c: {  	_ =	shalt  }
0x4d: {  	_ =	shalt  }
0x4e: {  	_ =	shalt  }
0x4f: {  	_ =	shalt  }
0x50: {  	_ =	shalt  }
0x51: {  	_ =	shalt  }
0x52: {  	_ =	shalt  }
0x53: {  	_ =	shalt  }
0x54: {  	_ =	shalt  }
0x55: {  	_ =	shalt  }
0x56: {  	_ =	shalt  }
0x57: {  	_ =	shalt  }
0x58: {  	_ =	shalt  }
0x59: {  	_ =	shalt  }
0x5a: {  	_ =	shalt  }
0x5b: {  	_ =	shalt  }
0x5c: {  	_ =	shalt  }
0x5d: {  	_ =	shalt  }
0x5e: {  	_ =	shalt  }
0x5f: {  	_ =	shalt  }
0x60: {  	_ =	shalt  }
0x61: {  	_ =	shalt  }
0x62: {  	_ =	shalt  }
0x63: {  	_ =	shalt  }
0x64: {  	_ =	shalt  }
0x65: {  	_ =	shalt  }
0x66: {  	_ =	shalt  }
0x67: {  	_ =	shalt  }
0x68: {  	_ =	shalt  }
0x69: {  	_ =	shalt  }
0x6a: {  	_ =	shalt  }
0x6b: {  	_ =	shalt  }
0x6c: {  	_ =	shalt  }
0x6d: {  	_ =	shalt  }
0x6e: {  	_ =	shalt  }
0x6f: {  	_ =	shalt  }
0x70: {  	_ =	shalt  }
0x71: {  	_ =	shalt  }
0x72: {  	_ =	shalt  }
0x73: {  	_ =	shalt  }
0x74: {  	_ =	shalt  }
0x75: {  	_ =	shalt  }
0x76: {  	_ =	shalt  }
0x77: {  	_ =	shalt  }
0x78: {  	_ =	shalt  }
0x79: {  	_ =	shalt  }
0x7a: {  	_ =	shalt  }
0x7b: {  	_ =	shalt  }
0x7c: {  	_ =	shalt  }
0x7d: {  	_ =	shalt  }
0x7e: {  	_ =	shalt  }
0x7f: {  	_ =	shalt  }
0x80: {  	_ =	shalt  }
0x81: {  	_ =	shalt  }
0x82: {  	_ =	shalt  }
0x83: {  	_ =	shalt  }
0x84: {  	_ =	shalt  }
0x85: {  	_ =	shalt  }
0x86: {  	_ =	shalt  }
0x87: {  	_ =	shalt  }
.Lfunc_end0:
.L_simem_size_0:
called_computation_lowered:
.L_overlay_start_0:
0x88: {  	s2 =	sld [smem:$0x3FD9]  }
0x89: {  	s3 =	sld [smem:$0x3FFE];
	_ =	sdelay $0x1  }
0x8a: {  	s1 =	srdreg.scid  }
0x8b: {  	s0 =	sand.u32 $0x1, s1  }
0x8c: {  	s17 =	sshll.u32 s0, $0xA;
	s2 =	sadd.s32 s3, s2  }
0x8d: {  	s2 =	sadd.s32 s2, s17  }
0x8e: {  	[smem:$0x3FC4] =	sst s2  }
0x8f: {  	_ = 	snop  }
0x90: {  	s2 =	sld [smem:$0x3FD0];
	(tm) =	ssettm $0x1  }
0x91: {  	s18 =	sld [smem:$0x3FFB];
	_ =	sdelay $0x3  }
0x92: {  	_ =	strace s18  }
0x93: {  	s3 =	sld [smem:$0x3FFC];
	_ =	sdelay $0x3  }
0x94: {  	_ =	strace s3  }
0x95: {  	s3 =	sld [smem:$0x3FFD];
	_ =	sdelay $0x3  }
0x96: {  	_ =	strace s3  }
0x97: {  	_ =	strace $0x8FFFFFFF  }
0x98: {  	s19 =	sld [smem:$0x3FDB];
	_ =	sdelay $0x1  }
0x99: {  	s4 =	simm.s32 $_scs_section_size  }
0x9a: {  	s5 =	simm.s32 $_size__tile_overlayer_lowered;
	s6 =	simm.s32 $_tile_overlayer_lowered  }
0x9b: {  	s22 =	simm.s32 $0x1BFF;
	s21 =	sshll.u32 s6, $0x1;
	s3 =	sadd.s32 s4, s19  }
0x9c: {  	s7 =	simm.s32 $0x0;
	s20 =	sshll.u32 s5, $0x1;
	s5 =	sadd.s32 s21, s3  }
0x9d: {  	[timem:s7], [sflag:s22] =	dma.local [hbm:s5], s20  }
0x9e: {  	_ =	swait.ge [sflag:s22], s20  }
0x9f: {  	s4 =	ssub.s32 $0x0, s20;
	[sflag:s22] =	ssyncset.done $0x0  }
0xa0: {  	[sflag:s22] =	ssyncadd.s32 s4;
	_ =	sdelay $0x1  }
0xa1: {  	s23 =	simm.s32 $0x1B8B  }
0xa2: {  	_ =	swait.ge [sflag:s23], $0x1  }
0xa3: {  	[sflag:s23] =	ssyncset.done $0x0  }
0xa4: {  	s25 =	simm.s32 $0x1B8E;
	s24 =	sld [smem:$0x3FFE];
	[sflag:s23] =	ssyncadd.s32 $0xFFFFFFFF  }
0xa5: {  	s26 =	simm.s32 $execute0_lowered;
	[smem:$0x3FD2] =	sst s25  }
0xa6: {  	s5 =	sshll.u32 s26, $0x1;
	_ =	strace $0x80000046;
	[dreg:$0x1] =	wrdreg $0xFFFFFFFF  }
0xa7: {  	s28 =	simm.s32 $_size_execute0_lowered;
	s3 =	sadd.s32 s3, s5;
	[dreg:$0x0] =	wrdreg $0x0  }
0xa8: {  	s5 =	sshll.u32 s28, $0x1;
	[dreg:$0x2] =	wrdreg s3  }
0xa9: {  	[dreg:$0x3] =	wrdreg s5  }
0xaa: {  	[dreg:$0x4] =	wrdreg $0xC0  }
0xab: {  	_ =	task [dreg:s7], $0x5FFFF  }
0xac: {  	[dreg:$0x1] =	wrdreg $0xFFFFFFFF  }
0xad: {  	[dreg:$0x0] =	wrdreg $0x60  }
0xae: {  	[dreg:$0x2] =	wrdreg s24  }
0xaf: {  	[dreg:$0x3] =	wrdreg s2  }
0xb0: {  	[dreg:$0x4] =	wrdreg $0x87800  }
0xb1: {  	[dreg:$0x5] =	wrdreg $0x9  }
0xb2: {  	_ =	task.clear_ibuf [dreg:s7], $0x6FFFF;
	_ =	strace $0x90000046  }
0xb3: {  	s29 =	simm.s32 $0x9;
	_ =	strace $0x80000048  }
0xb4: {  	_ =	swait.ge [sflag:s29], $0x1  }
0xb5: {  	[sflag:s29] =	ssyncadd.s32 $0xFFFFFFFF  }
0xb6: {  	_ =	strace $0x90000048  }
0xb7: {  	_ =	sfence  }
0xb8: {  	s30 =	sld [smem:$0x0];
	_ =	sdelay $0x2  }
0xb9: {  	s31 =	sshll.u32 s1, $0xD;
	s1 =	sshrl.u32 s1, $0x2  }
0xba: {  	s3 =	sand.u32 $0x4000, s31;
	s1 =	sadd.s32 s1, s30  }
0xbb: {  	s0 =	sor.u32 s3, s0;
	s1 =	sshll.u32 s1, $0x11  }
0xbc: {  	s0 =	sor.u32 s1, s0  }
0xbd: {  	s0 =	sadd.s32 $0x8F2B, s0  }
0xbe: {  	[sflag:s0] =	ssyncadd.remote.s32 $0x1  }
0xbf: {  	_ =	sfence.sel $0xFFFF  }
0xc0: {  	[dreg:$0x0] =	wrdreg $0xFFFFFFFF;
	(pc) =	sbr.abs _section_cstart, $3  }
0xc1: {  	[dreg:$0x1] =	wrdreg $0xFFFFFFFF  }
0xc2: {  	_ =	task.clear_ibuf [dreg:s7], $0x2FFFF;
	_ =	strace $0x9FFFFFFF  }
0xc3: {  	(tm) =	ssettm $0x7FFFFFFF  }
tec
execute0_lowered:
.L_overlay_start_1:
0x0: {  	(tag) =	ssettag $0x1  }
0x1: {  	s5 =	rddreg [dreg:$0x0]  }
0x2: {  	s7 =	rddreg [dreg:$0x1]  }
0x3: {  	s0 =	srdreg.scid;
	s2 =	rddreg [dreg:$0x2]  }
0x4: {  	s1 =	stileid.u32;
	s3 =	simm.s32 $0x0;
	s14 =	simm.s32 $0x2780  }
0x5: {  	s15 =	simm.s32 $0x80;
	s16 =	simm.s32 $0x6780;
	s17 =	simm.s32 $0x4780  }
0x6: {  	s18 =	simm.s32 $0x0;
	s10 =	sand.u32 $0x1, s0;
	s0 =	rddreg [dreg:$0x3]  }
0x7: {  	[smem:$0x7FF] =	sst s3;
	s8 =	smul.u32 $0x14000, s1;
	s13 =	sshll.u32 s1, $0x6  }
0x8: {  	s4 =	sshll.u32 s10, $0x4;
	_ =	strace $0x80000047;
	s6 =	ssub.s32 $0x2, s10  }
0x9: {  	s10 =	smul.u32 $0xA0000, s10;
	s4 =	sor.u32 s1, s4;
	s11 =	sshrl.u32 s6, $0x1  }
0xa: {  	s12 =	sshrl.u32 s8, $0x1;
	s8 =	sshrl.u32 s8, $0x4;
	s4 =	smul.u32 $0x4F0, s4  }
0xb: {  	s11 =	ssub.s32 s6, s11;
	s6 =	smul.u32 $0x280, s1;
	s12 =	sadd.s32 s12, s2  }
0xc: {  	s7 =	sadd.s32 s7, s8;
	s8 =	sor.u32 $0x1C01, s13;
	s13 =	simm.s32 $0x1  }
0xd: {  	s11 =	smax.u32 s11, $0x1;
	s12 =	sshrl.u32 s12, $0x3;
	s9 =	sadd.s32 s4, s5  }
0xe: {  	s4 =	sadd.s32 $0x1000, s5;
	s5 =	sadd.s32 $0xB200, s5;
	s9 =	sadd.s32 $0x1400, s9  }
.LBB2_1:
0xf: {  	[spmem:s12], [sflag:s8] =	dma.local [hbm:s7], $0x1400  }
0x10: {  	_ =	swait.ge [sflag:s13], $0x1400  }
0x11: {  	[sflag:s13] =	ssyncset.done $0x0  }
0x12: {  	[sflag:s13] =	ssyncadd.s32 $0xFFFFEC00  }
0x13: {  	[tilespmem:s14], [sflag:$0x1] =	stream.linear.gather [hbm4b:s4+s3], $0x2000, $0x38;
	[tilespmem:$0x12780] =	vst v63  }
0x14: {  	_ =	swait.ge [sflag:s13], $0x2000  }
0x15: {  	[sflag:s13] =	ssyncset.done $0x0  }
0x16: {  	[sflag:s13] =	ssyncadd.s32 $0xFFFFE000  }
0x17: {  	[tilespmem:s3], [sflag:$0x1] =	stream.linear.gather [hbm4b:s9+s3], $0x2780, $0x38;
	[tilespmem:$0x12780] =	vst v63  }
0x18: {  	_ =	swait.ge [sflag:s13], $0x2780  }
0x19: {  	[sflag:s13] =	ssyncset.done $0x0  }
0x1a: {  	[sflag:s13] =	ssyncadd.s32 $0xFFFFD880  }
0x1b: {  	s19 =	simm.s32 $0x0;
	[bflag:$0x0] =	sbarrier.arrive $0xFFFF  }
0x1c: {  	[spmem:s2] =	stream.indirect.scatter.add.bf16 [tilespmem:s14], [sflag:$0x1], $0x40, s19, s15, $0xb8;
	[tilespmem:$0x12780] =	vst v63  }
0x1d: {  	_ =	swait.ge [sflag:s13], $0x2000  }
0x1e: {  	s19 =	simm.s32 $0x200;
	[sflag:s13] =	ssyncset.done $0x0  }
.LBB2_2:
0x1f: {  	s20 =	sshra.s32 s19, $0x2;
	[sflag:s13] =	ssyncadd.s32 $0xFFFFE000;
	p0 =	sne.s32 s19, $0x9C00  }
0x20: {  	[spmem:s2] =	stream.indirect.scatter.add.bf16 [tilespmem:s14], [sflag:$0x1], $0x40, s20, s15, $0xb8;
	[tilespmem:$0x12780] =	vst v63  }
.Ltmp0:
0x21: {  	_ = 	snop;
	(pc) =	sbr.rel @p0 .LBB2_2-.Ltmp0, $4  }
0x22: {  	_ = 	snop  }
0x23: {  	s19 =	sadd.s32 $0x200, s19  }
0x24: {  	_ =	swait.ge [sflag:s13], $0x2000  }
0x25: {  	[sflag:s13] =	ssyncset.done $0x0  }
0x26: {  	[sflag:s13] =	ssyncadd.s32 $0xFFFFE000  }
0x27: {  	s19 =	simm.s32 $0x0;
	[bflag:$0x0] =	sbarrier.arrive $0xFFFF  }
.LBB2_4:
0x28: {  	s20 =	sshll.u32 s19, $0x7  }
0x29: {  	s20 =	sadd.s32 s6, s20  }
0x2a: {  	s20 =	sshll.u32 s20, $0x6  }
0x2b: {  	s21 =	sand.u32 $0x3FFFFFC0, s20  }
0x2c: {  	s21 =	sadd.s32 s21, s2  }
0x2d: {  	[tilespmem:s16], [sflag:$0x1] =	stream.linear.gather [spmem:s21], $0x2000, $0x38;
	[tilespmem:$0x12780] =	vst v63  }
0x2e: {  	_ =	swait.ge [sflag:s13], $0x2000  }
0x2f: {  	[sflag:s13] =	ssyncset.done $0x0  }
0x30: {  	s21 =	simm.s32 $0x0;
	[sflag:s13] =	ssyncadd.s32 $0xFFFFE000  }
0x31: {  	v1 =	vld [tilespmem:s21+$0x67B0]  }
0x32: {  	v2 =	vld [tilespmem:s21+$0x6780]  }
0x33: {  	v0 =	vld [tilespmem:s21+$0x6790]  }
0x34: {  	s22 =	simm.s32 $0x100;
	v3 =	vld [tilespmem:s21+$0x67A0]  }
.LBB2_5:
0x35: {  	p0 =	sne.s32 s22, $0x7F00  }
.Ltmp1:
0x36: {  	s23 =	sshra.s32 s22, $0x2;
	s22 =	sadd.s32 $0x100, s22;
	[tilespmem:s21+$0x47B0] =	vst v1;
	(pc) =	sbr.rel @p0 .LBB2_5-.Ltmp1, $4  }
0x37: {  	v1 =	vld [tilespmem:s23+$0x67B0];
	[tilespmem:s21+$0x4780] =	vst v2  }
0x38: {  	v2 =	vld [tilespmem:s23+$0x6780];
	[tilespmem:s21+$0x4790] =	vst v0  }
0x39: {  	v0 =	vld [tilespmem:s23+$0x6790];
	[tilespmem:s21+$0x47A0] =	vst v3;
	s21 =	smov.u32 s23  }
0x3a: {  	v3 =	vld [tilespmem:s21+$0x67A0]  }
0x3b: {  	_ = 	snop  }
0x3c: {  	[tilespmem:s21+$0x47B0] =	vst v1  }
0x3d: {  	s20 =	sadd.s32 s10, s20;
	s19 =	sadd.s32 $0x1, s19;
	[tilespmem:s21+$0x4780] =	vst v2  }
0x3e: {  	s20 =	sshrl.u32 s20, $0x3;
	p0 =	sne.s32 s19, $0x5;
	[tilespmem:s21+$0x4790] =	vst v0  }
.Ltmp2:
0x3f: {  	s20 =	sadd.s32 s5, s20;
	[tilespmem:s21+$0x47A0] =	vst v3;
	(pc) =	sbr.rel @p0 .LBB2_4-.Ltmp2, $4  }
0x40: {  	[hbm4b:s20+s3] =	stream.linear.scatter [tilespmem:s17], [sflag:$0x1], $0x2000, $0x38;
	[tilespmem:$0x12780] =	vst v63  }
0x41: {  	_ =	swait.ge [sflag:s13], $0x2000  }
0x42: {  	[sflag:s13] =	ssyncset.done $0x0  }
0x43: {  	[sflag:s13] =	ssyncadd.s32 $0xFFFFE000  }
0x44: {  	s18 =	sadd.s32 $0x1, s18  }
0x45: {  	p0 =	sne.s32 s18, s11  }
.Ltmp3:
0x46: {  	_ = 	snop;
	(pc) =	sbr.rel @p0 .LBB2_1-.Ltmp3, $1  }
0x47: {  	_ =	sdelay $0x3  }
0x48: {  	_ =	sfence.sel $0x180000  }
0x49: {  	[bflag:$0x0] =	sbarrier.arrive $0xFFFF  }
0x4a: {  	p0 =	sne.s32 s1, $0x0;
	_ =	strace $0x90000047  }
0x4b: {  	s0 =	sadd.s32 @!p0 $0x100000, s0;
	[bflag:$0x2] =	sbarrier.arrive $0xFFFF  }
0x4c: {  	[sflag:s0] =	ssyncadd.tile.s32 @!p0 $0x1;
	_ =	shalt  }
.Lfunc_end2:
_tile_overlayer_lowered:
.L_overlay_start_2:
0x4d: {  	(tag) =	ssettag $0x2  }
0x4e: {  	s0 =	rddreg [dreg:$0x0];
	s2 =	stileid.u32  }
0x4f: {  	s1 =	rddreg [dreg:$0x1];
	p0 =	sne.s32 s2, $0x0  }
0x50: {  	s3 =	rddreg [dreg:$0x2];
	[bflag:$0x3] =	sbarrier.arrive $0xFFFF;
	s2 =	simm.s32 @!p0 $0x1C01  }
0x51: {  	[timem:s3], [sflag:s2] =	dma.local @!p0 [hbm:s0], s1  }
0x52: {  	s0 =	simm.s32 @!p0 $0x1  }
0x53: {  	_ =	swait.ge @!p0 [sflag:s0], s1  }
0x54: {  	s1 =	ssub.s32 @!p0 $0x0, s1;
	[sflag:s0] =	ssyncset.done @!p0 $0x0  }
0x55: {  	[sflag:s0] =	ssyncadd.s32 @!p0 s1  }
0x56: {  	[bflag:$0x3] =	sbarrier.arrive $0xFFFF  }
0x57: {  	_ =	shalt  }

</sc_bundles>
